<compile_context>
chip_gen: v7x
topology: tpu7x:2x2x1
jax: 0.10.2.dev20260603
libtpu: 0.0.44.dev20260713+nightly
codegen_flags: <defaults>
</compile_context>

<pallas_src>
import functools

import jax
import jax.numpy as jnp
from jax import lax
from jax.experimental import pallas as pl
from jax.experimental.pallas import tpu as pltpu
from jax.experimental.pallas import tpu_sc as plsc

ROWS = 128
COLS = 32768
NC = 1
NS = 16
L = 16
NW = NC * NS
K = 8
OSTEPS = COLS // (L * K)

SC_ROWS = 16
SC_BASE = ROWS - SC_ROWS
RPW = SC_ROWS // NW

TC_ROWS = ROWS - SC_ROWS
BR = 56

_mesh = plsc.VectorSubcoreMesh(core_axis_name="c", subcore_axis_name="s", num_cores=NC)

_NEG_INF = float("-inf")


@functools.partial(
    pl.kernel,
    mesh=_mesh,
    out_type=jax.ShapeDtypeStruct((NW, L), jnp.int32),
    scratch_types=[
        pltpu.VMEM((2, COLS), jnp.float32),
        pltpu.VMEM((L,), jnp.int32),
        pltpu.SemaphoreType.DMA,
        pltpu.SemaphoreType.DMA,
    ],
)
def _argmax_sc(x_hbm, out_hbm, buf, res, sem0, sem1):
    cid = lax.axis_index("c")
    sid = lax.axis_index("s")
    wid = cid * NS + sid
    base = wid * RPW
    sems = (sem0, sem1)

    copies = [pltpu.async_copy(x_hbm.at[base], buf.at[0], sems[0])]
    iota = lax.iota(jnp.int32, L)
    ansvec = jnp.zeros((L,), jnp.int32)

    for r in range(RPW):
        if r + 1 < RPW:
            copies.append(
                pltpu.async_copy(
                    x_hbm.at[base + (r + 1)], buf.at[(r + 1) % 2], sems[(r + 1) % 2]
                )
            )
        copies[r].wait()
        row = buf.at[r % 2]

        def body(jo, carry):
            maxs, steps = carry
            new_maxs = []
            new_steps = []
            for k in range(K):
                v = row[pl.ds((jo * K + k) * L, L)]
                m = v > maxs[k]
                new_maxs.append(jnp.where(m, v, maxs[k]))
                new_steps.append(jnp.where(m, jo, steps[k]))
            return tuple(new_maxs), tuple(new_steps)

        init = (
            tuple(jnp.full((L,), _NEG_INF, jnp.float32) for _ in range(K)),
            tuple(jnp.zeros((L,), jnp.int32) for _ in range(K)),
        )
        maxs, steps = lax.fori_loop(0, OSTEPS, body, init, unroll=2)

        vals = list(maxs)
        idxs = [(steps[k] * K + k) * L + iota for k in range(K)]
        n = K
        while n > 1:
            half = n // 2
            for a in range(half):
                b = a + half
                take = (vals[b] > vals[a]) | (
                    (vals[b] == vals[a]) & (idxs[b] < idxs[a])
                )
                vals[a] = jnp.where(take, vals[b], vals[a])
                idxs[a] = jnp.where(take, idxs[b], idxs[a])
            n = half
        vmax, vidx = vals[0], idxs[0]

        gmax = vmax
        for shift in (1, 2, 4, 8):
            perm = iota ^ shift
            gmax = jnp.maximum(gmax, gmax.at[perm].get(mode="promise_in_bounds"))
        cand = jnp.where(vmax == gmax, vidx, COLS)
        for shift in (1, 2, 4, 8):
            perm = iota ^ shift
            cand = jnp.minimum(cand, cand.at[perm].get(mode="promise_in_bounds"))
        ansvec = jnp.where(iota == r, cand, ansvec)

    res[...] = ansvec
    pltpu.sync_copy(res, out_hbm.at[wid])


def _tc_body(x_ref, o_ref):
    xb = x_ref[...]
    m = jnp.max(xb, axis=1, keepdims=True)
    iota = lax.broadcasted_iota(jnp.int32, (BR, COLS), 1)
    idx = jnp.where(xb == m, iota, COLS)
    o_ref[0, 0, :] = jnp.min(idx, axis=1)


def _argmax_tc(x):
    nb = TC_ROWS // BR
    out = pl.pallas_call(
        _tc_body,
        grid=(nb,),
        in_specs=[pl.BlockSpec((BR, COLS), lambda i: (i, 0))],
        out_specs=pl.BlockSpec((1, 1, BR), lambda i: (i, 0, 0)),
        out_shape=jax.ShapeDtypeStruct((nb, 1, BR), jnp.int32),
    )(x)
    return out.reshape(TC_ROWS)


def kernel(x):
    x_tail = lax.slice(x, (SC_BASE, 0), (ROWS, COLS))
    sc_out = _argmax_sc(x_tail)
    tc_out = _argmax_tc(x)
    sc_idx = sc_out[:, :RPW].reshape(SC_ROWS)
    return jnp.concatenate([tc_out, sc_idx])

# --- scband reference (transcript-rebuilt; emitter-appended) ---
"""Pipeline reference for scband-model-new-4810363371866 (READ-ONLY COPY).

The authoritative reference and input builder live on the scoring server;
editing this copy changes nothing except your own understanding.
"""

import jax, jax.numpy as jnp
import numpy as np

DIM = 1

def setup_inputs(seed: int = 0) -> dict:
    key = jax.random.key(seed)
    x = jax.random.normal(key, (128, 32768), dtype=jnp.float32)
    return {"x": x}

def reference(x) -> jnp.ndarray:
    # Faithful translation of the module's forward: argmax over self.dim,
    # returning int32 indices (the CUDA kernel writes int32 output).
    return jnp.argmax(x, axis=DIM).astype(jnp.int32)

if __name__ == "__main__":
    import jax
    _d = setup_inputs()
    print(jax.jit(kernel)(*tuple(_d.values())))

</pallas_src>

<mosaic_0001>
#map = affine_map<(d0, d1) -> (0, 0)>
module attributes {stable_mosaic.version = 14 : i64} {
  func.func @_argmax_sc(%arg0: i32, %arg1: i32, %arg2: memref<16x32768xf32, #tpu.memory_space<hbm>>, %arg3: memref<16x16xi32, #tpu.memory_space<hbm>>, %arg4: memref<2x32768xf32, #tpu.memory_space<vmem>>, %arg5: memref<16xi32, #tpu.memory_space<vmem>>, %arg6: memref<!tpu.dma_semaphore, #tpu.memory_space<semaphore_mem>>, %arg7: memref<!tpu.dma_semaphore, #tpu.memory_space<semaphore_mem>>) attributes {dimension_semantics = [#tpu.dimension_semantics<core_parallel>, #tpu.dimension_semantics<subcore_parallel>], iteration_bounds = array<i64: 1, 16>, scalar_prefetch = 0 : i64, scratch_operands = 4 : i64, tpu.core_type = #tpu.core_type<sc_vector_subcore>, window_params = [{transform_indices = #map}, {transform_indices = #map}]} {
    %mul3A = arith.constant 16 : i32
    %mul3A_0 = arith.muli %arg0, %mul3A : i32
    %add3A = arith.addi %mul3A_0, %arg1 : i32
    %mul3A_1 = arith.constant 1 : i32
    %mul3A_2 = arith.muli %add3A, %mul3A_1 : i32
    %dma_start3A = arith.constant 0 : i32
    %dma_start3A_3 = arith.constant 0 : i32
    %dma_start3A_4 = tpu.memref_slice %arg4[%dma_start3A, %dma_start3A_3] : memref<2x32768xf32, #tpu.memory_space<vmem>> -> memref<1x32768xf32, #tpu.memory_space<vmem>>
    %dma_start3A_5 = tpu.memref_squeeze %dma_start3A_4 : memref<1x32768xf32, #tpu.memory_space<vmem>> -> memref<32768xf32, #tpu.memory_space<vmem>>
    %dma_start3A_6 = arith.constant 0 : i32
    %dma_start3A_7 = tpu.memref_slice %arg2[%mul3A_2, %dma_start3A_6] : memref<16x32768xf32, #tpu.memory_space<hbm>> -> memref<1x32768xf32, #tpu.memory_space<hbm>>
    %dma_start3A_8 = tpu.memref_squeeze %dma_start3A_7 : memref<1x32768xf32, #tpu.memory_space<hbm>> -> memref<32768xf32, #tpu.memory_space<hbm>>
    %dma_start3A_9 = arith.constant 0 : i32
    %dma_start3A_10 = tpu.memref_slice %arg4[%dma_start3A, %dma_start3A_9] : memref<2x32768xf32, #tpu.memory_space<vmem>> -> memref<1x32768xf32, #tpu.memory_space<vmem>>
    %dma_start3A_11 = tpu.memref_squeeze %dma_start3A_10 : memref<1x32768xf32, #tpu.memory_space<vmem>> -> memref<32768xf32, #tpu.memory_space<vmem>>
    %dma_start3A_12 = arith.constant 0 : i32
    %dma_start3A_13 = tpu.memref_slice %arg2[%mul3A_2, %dma_start3A_12] : memref<16x32768xf32, #tpu.memory_space<hbm>> -> memref<1x32768xf32, #tpu.memory_space<hbm>>
    %dma_start3A_14 = tpu.memref_squeeze %dma_start3A_13 : memref<1x32768xf32, #tpu.memory_space<hbm>> -> memref<32768xf32, #tpu.memory_space<hbm>>
    tpu.enqueue_dma source(%dma_start3A_14 : memref<32768xf32, #tpu.memory_space<hbm>>) target(%dma_start3A_11 : memref<32768xf32, #tpu.memory_space<vmem>>) target_semaphore(%arg6 : memref<!tpu.dma_semaphore, #tpu.memory_space<semaphore_mem>>)
    %iota3A = tpu.iota {dimensions = array<i32: 0>} : vector<16xi32>
    %broadcast_in_dim3A = arith.constant 0 : i32
    %broadcast_in_dim3A_15 = vector.broadcast %broadcast_in_dim3A : i32 to vector<16xi32>
    %dma_wait3A = arith.constant 0 : i32
    %dma_wait3A_16 = arith.constant 0 : i32
    %dma_wait3A_17 = tpu.memref_slice %arg4[%dma_wait3A, %dma_wait3A_16] : memref<2x32768xf32, #tpu.memory_space<vmem>> -> memref<1x32768xf32, #tpu.memory_space<vmem>>
    %dma_wait3A_18 = tpu.memref_squeeze %dma_wait3A_17 : memref<1x32768xf32, #tpu.memory_space<vmem>> -> memref<32768xf32, #tpu.memory_space<vmem>>
    %dma_wait3A_19 = arith.constant 0 : i32
    %dma_wait3A_20 = tpu.memref_slice %arg2[%mul3A_2, %dma_wait3A_19] : memref<16x32768xf32, #tpu.memory_space<hbm>> -> memref<1x32768xf32, #tpu.memory_space<hbm>>
    %dma_wait3A_21 = tpu.memref_squeeze %dma_wait3A_20 : memref<1x32768xf32, #tpu.memory_space<hbm>> -> memref<32768xf32, #tpu.memory_space<hbm>>
    %dma_wait3A_22 = arith.constant 0 : i32
    %dma_wait3A_23 = tpu.memref_slice %arg4[%dma_wait3A, %dma_wait3A_22] : memref<2x32768xf32, #tpu.memory_space<vmem>> -> memref<1x32768xf32, #tpu.memory_space<vmem>>
    %dma_wait3A_24 = tpu.memref_squeeze %dma_wait3A_23 : memref<1x32768xf32, #tpu.memory_space<vmem>> -> memref<32768xf32, #tpu.memory_space<vmem>>
    %dma_wait3A_25 = arith.constant 0 : i32
    %dma_wait3A_26 = tpu.memref_slice %arg2[%mul3A_2, %dma_wait3A_25] : memref<16x32768xf32, #tpu.memory_space<hbm>> -> memref<1x32768xf32, #tpu.memory_space<hbm>>
    %dma_wait3A_27 = tpu.memref_squeeze %dma_wait3A_26 : memref<1x32768xf32, #tpu.memory_space<hbm>> -> memref<32768xf32, #tpu.memory_space<hbm>>
    tpu.wait_dma2 semaphore(%arg6 : memref<!tpu.dma_semaphore, #tpu.memory_space<semaphore_mem>>) src(%dma_wait3A_27 : memref<32768xf32, #tpu.memory_space<hbm>>) dst(%dma_wait3A_24 : memref<32768xf32, #tpu.memory_space<vmem>>)
    %broadcast_in_dim3A_28 = arith.constant 0xFF800000 : f32
    %broadcast_in_dim3A_29 = vector.broadcast %broadcast_in_dim3A_28 : f32 to vector<16xf32>
    %broadcast_in_dim3A_30 = arith.constant 0xFF800000 : f32
    %broadcast_in_dim3A_31 = vector.broadcast %broadcast_in_dim3A_30 : f32 to vector<16xf32>
    %broadcast_in_dim3A_32 = arith.constant 0xFF800000 : f32
    %broadcast_in_dim3A_33 = vector.broadcast %broadcast_in_dim3A_32 : f32 to vector<16xf32>
    %broadcast_in_dim3A_34 = arith.constant 0xFF800000 : f32
    %broadcast_in_dim3A_35 = vector.broadcast %broadcast_in_dim3A_34 : f32 to vector<16xf32>
    %broadcast_in_dim3A_36 = arith.constant 0xFF800000 : f32
    %broadcast_in_dim3A_37 = vector.broadcast %broadcast_in_dim3A_36 : f32 to vector<16xf32>
    %broadcast_in_dim3A_38 = arith.constant 0xFF800000 : f32
    %broadcast_in_dim3A_39 = vector.broadcast %broadcast_in_dim3A_38 : f32 to vector<16xf32>
    %broadcast_in_dim3A_40 = arith.constant 0xFF800000 : f32
    %broadcast_in_dim3A_41 = vector.broadcast %broadcast_in_dim3A_40 : f32 to vector<16xf32>
    %broadcast_in_dim3A_42 = arith.constant 0xFF800000 : f32
    %broadcast_in_dim3A_43 = vector.broadcast %broadcast_in_dim3A_42 : f32 to vector<16xf32>
    %broadcast_in_dim3A_44 = arith.constant 0 : i32
    %broadcast_in_dim3A_45 = vector.broadcast %broadcast_in_dim3A_44 : i32 to vector<16xi32>
    %broadcast_in_dim3A_46 = arith.constant 0 : i32
    %broadcast_in_dim3A_47 = vector.broadcast %broadcast_in_dim3A_46 : i32 to vector<16xi32>
    %broadcast_in_dim3A_48 = arith.constant 0 : i32
    %broadcast_in_dim3A_49 = vector.broadcast %broadcast_in_dim3A_48 : i32 to vector<16xi32>
    %broadcast_in_dim3A_50 = arith.constant 0 : i32
    %broadcast_in_dim3A_51 = vector.broadcast %broadcast_in_dim3A_50 : i32 to vector<16xi32>
    %broadcast_in_dim3A_52 = arith.constant 0 : i32
    %broadcast_in_dim3A_53 = vector.broadcast %broadcast_in_dim3A_52 : i32 to vector<16xi32>
    %broadcast_in_dim3A_54 = arith.constant 0 : i32
    %broadcast_in_dim3A_55 = vector.broadcast %broadcast_in_dim3A_54 : i32 to vector<16xi32>
    %broadcast_in_dim3A_56 = arith.constant 0 : i32
    %broadcast_in_dim3A_57 = vector.broadcast %broadcast_in_dim3A_56 : i32 to vector<16xi32>
    %broadcast_in_dim3A_58 = arith.constant 0 : i32
    %broadcast_in_dim3A_59 = vector.broadcast %broadcast_in_dim3A_58 : i32 to vector<16xi32>
    %scan3A = arith.constant 0 : i32
    %scan3A_60 = arith.constant 0 : i32
    %scan3A_61 = arith.constant 256 : i32
    %scan3A_62 = arith.addi %scan3A_60, %scan3A_61 : i32
    %scan3A_63 = arith.constant 2 : i32
    %scan3A_64:16 = scf.for %scan3A_307 = %scan3A_60 to %scan3A_62 step %scan3A_63 iter_args(%scan3A_308 = %broadcast_in_dim3A_29, %scan3A_309 = %broadcast_in_dim3A_31, %scan3A_310 = %broadcast_in_dim3A_33, %scan3A_311 = %broadcast_in_dim3A_35, %scan3A_312 = %broadcast_in_dim3A_37, %scan3A_313 = %broadcast_in_dim3A_39, %scan3A_314 = %broadcast_in_dim3A_41, %scan3A_315 = %broadcast_in_dim3A_43, %scan3A_316 = %broadcast_in_dim3A_45, %scan3A_317 = %broadcast_in_dim3A_47, %scan3A_318 = %broadcast_in_dim3A_49, %scan3A_319 = %broadcast_in_dim3A_51, %scan3A_320 = %broadcast_in_dim3A_53, %scan3A_321 = %broadcast_in_dim3A_55, %scan3A_322 = %broadcast_in_dim3A_57, %scan3A_323 = %broadcast_in_dim3A_59) -> (vector<16xf32>, vector<16xf32>, vector<16xf32>, vector<16xf32>, vector<16xf32>, vector<16xf32>, vector<16xf32>, vector<16xf32>, vector<16xi32>, vector<16xi32>, vector<16xi32>, vector<16xi32>, vector<16xi32>, vector<16xi32>, vector<16xi32>, vector<16xi32>)  : i32 {
      %mul3A_324 = arith.constant 8 : i32
      %mul3A_325 = arith.muli %scan3A_307, %mul3A_324 : i32
      %add3A_326 = arith.constant 0 : i32
      %add3A_327 = arith.addi %mul3A_325, %add3A_326 : i32
      %mul3A_328 = arith.constant 16 : i32
      %mul3A_329 = arith.muli %add3A_327, %mul3A_328 : i32
      %get3A = arith.constant 0 : i32
      %get3A_330 = tpu.memref_slice %arg4[%scan3A, %get3A] : memref<2x32768xf32, #tpu.memory_space<vmem>> -> memref<1x32768xf32, #tpu.memory_space<vmem>>
      %get3A_331 = tpu.memref_squeeze %get3A_330 : memref<1x32768xf32, #tpu.memory_space<vmem>> -> memref<32768xf32, #tpu.memory_space<vmem>>
      %get3A_332 = arith.index_cast %mul3A_329 : i32 to index
      %get3A_333 = tpu.vector_load %get3A_331[%get3A_332] {strides = array<i32>} : memref<32768xf32, #tpu.memory_space<vmem>>, vector<16xf32>,
      %get3A_334 = vector.shape_cast %get3A_333 : vector<16xf32> to vector<16xf32>
      %gt3A_335 = arith.cmpf ogt, %get3A_334, %scan3A_308 : vector<16xf32>
      %select_n3A_336 = arith.select %gt3A_335, %get3A_334, %scan3A_308 : vector<16xi1>, vector<16xf32>
      %broadcast_in_dim3A_337 = vector.broadcast %scan3A_307 : i32 to vector<16xi32>
      %select_n3A_338 = arith.select %gt3A_335, %broadcast_in_dim3A_337, %scan3A_316 : vector<16xi1>, vector<16xi32>
      %mul3A_339 = arith.constant 8 : i32
      %mul3A_340 = arith.muli %scan3A_307, %mul3A_339 : i32
      %add3A_341 = arith.constant 1 : i32
      %add3A_342 = arith.addi %mul3A_340, %add3A_341 : i32
      %mul3A_343 = arith.constant 16 : i32
      %mul3A_344 = arith.muli %add3A_342, %mul3A_343 : i32
      %get3A_345 = arith.constant 0 : i32
      %get3A_346 = tpu.memref_slice %arg4[%scan3A, %get3A_345] : memref<2x32768xf32, #tpu.memory_space<vmem>> -> memref<1x32768xf32, #tpu.memory_space<vmem>>
      %get3A_347 = tpu.memref_squeeze %get3A_346 : memref<1x32768xf32, #tpu.memory_space<vmem>> -> memref<32768xf32, #tpu.memory_space<vmem>>
      %get3A_348 = arith.index_cast %mul3A_344 : i32 to index
      %get3A_349 = tpu.vector_load %get3A_347[%get3A_348] {strides = array<i32>} : memref<32768xf32, #tpu.memory_space<vmem>>, vector<16xf32>,
      %get3A_350 = vector.shape_cast %get3A_349 : vector<16xf32> to vector<16xf32>
      %gt3A_351 = arith.cmpf ogt, %get3A_350, %scan3A_309 : vector<16xf32>
      %select_n3A_352 = arith.select %gt3A_351, %get3A_350, %scan3A_309 : vector<16xi1>, vector<16xf32>
      %broadcast_in_dim3A_353 = vector.broadcast %scan3A_307 : i32 to vector<16xi32>
      %select_n3A_354 = arith.select %gt3A_351, %broadcast_in_dim3A_353, %scan3A_317 : vector<16xi1>, vector<16xi32>
      %mul3A_355 = arith.constant 8 : i32
      %mul3A_356 = arith.muli %scan3A_307, %mul3A_355 : i32
      %add3A_357 = arith.constant 2 : i32
      %add3A_358 = arith.addi %mul3A_356, %add3A_357 : i32
      %mul3A_359 = arith.constant 16 : i32
      %mul3A_360 = arith.muli %add3A_358, %mul3A_359 : i32
      %get3A_361 = arith.constant 0 : i32
      %get3A_362 = tpu.memref_slice %arg4[%scan3A, %get3A_361] : memref<2x32768xf32, #tpu.memory_space<vmem>> -> memref<1x32768xf32, #tpu.memory_space<vmem>>
      %get3A_363 = tpu.memref_squeeze %get3A_362 : memref<1x32768xf32, #tpu.memory_space<vmem>> -> memref<32768xf32, #tpu.memory_space<vmem>>
      %get3A_364 = arith.index_cast %mul3A_360 : i32 to index
      %get3A_365 = tpu.vector_load %get3A_363[%get3A_364] {strides = array<i32>} : memref<32768xf32, #tpu.memory_space<vmem>>, vector<16xf32>,
      %get3A_366 = vector.shape_cast %get3A_365 : vector<16xf32> to vector<16xf32>
      %gt3A_367 = arith.cmpf ogt, %get3A_366, %scan3A_310 : vector<16xf32>
      %select_n3A_368 = arith.select %gt3A_367, %get3A_366, %scan3A_310 : vector<16xi1>, vector<16xf32>
      %broadcast_in_dim3A_369 = vector.broadcast %scan3A_307 : i32 to vector<16xi32>
      %select_n3A_370 = arith.select %gt3A_367, %broadcast_in_dim3A_369, %scan3A_318 : vector<16xi1>, vector<16xi32>
      %mul3A_371 = arith.constant 8 : i32
      %mul3A_372 = arith.muli %scan3A_307, %mul3A_371 : i32
      %add3A_373 = arith.constant 3 : i32
      %add3A_374 = arith.addi %mul3A_372, %add3A_373 : i32
      %mul3A_375 = arith.constant 16 : i32
      %mul3A_376 = arith.muli %add3A_374, %mul3A_375 : i32
      %get3A_377 = arith.constant 0 : i32
      %get3A_378 = tpu.memref_slice %arg4[%scan3A, %get3A_377] : memref<2x32768xf32, #tpu.memory_space<vmem>> -> memref<1x32768xf32, #tpu.memory_space<vmem>>
      %get3A_379 = tpu.memref_squeeze %get3A_378 : memref<1x32768xf32, #tpu.memory_space<vmem>> -> memref<32768xf32, #tpu.memory_space<vmem>>
      %get3A_380 = arith.index_cast %mul3A_376 : i32 to index
      %get3A_381 = tpu.vector_load %get3A_379[%get3A_380] {strides = array<i32>} : memref<32768xf32, #tpu.memory_space<vmem>>, vector<16xf32>,
      %get3A_382 = vector.shape_cast %get3A_381 : vector<16xf32> to vector<16xf32>
      %gt3A_383 = arith.cmpf ogt, %get3A_382, %scan3A_311 : vector<16xf32>
      %select_n3A_384 = arith.select %gt3A_383, %get3A_382, %scan3A_311 : vector<16xi1>, vector<16xf32>
      %broadcast_in_dim3A_385 = vector.broadcast %scan3A_307 : i32 to vector<16xi32>
      %select_n3A_386 = arith.select %gt3A_383, %broadcast_in_dim3A_385, %scan3A_319 : vector<16xi1>, vector<16xi32>
      %mul3A_387 = arith.constant 8 : i32
      %mul3A_388 = arith.muli %scan3A_307, %mul3A_387 : i32
      %add3A_389 = arith.constant 4 : i32
      %add3A_390 = arith.addi %mul3A_388, %add3A_389 : i32
      %mul3A_391 = arith.constant 16 : i32
      %mul3A_392 = arith.muli %add3A_390, %mul3A_391 : i32
      %get3A_393 = arith.constant 0 : i32
      %get3A_394 = tpu.memref_slice %arg4[%scan3A, %get3A_393] : memref<2x32768xf32, #tpu.memory_space<vmem>> -> memref<1x32768xf32, #tpu.memory_space<vmem>>
      %get3A_395 = tpu.memref_squeeze %get3A_394 : memref<1x32768xf32, #tpu.memory_space<vmem>> -> memref<32768xf32, #tpu.memory_space<vmem>>
      %get3A_396 = arith.index_cast %mul3A_392 : i32 to index
      %get3A_397 = tpu.vector_load %get3A_395[%get3A_396] {strides = array<i32>} : memref<32768xf32, #tpu.memory_space<vmem>>, vector<16xf32>,
      %get3A_398 = vector.shape_cast %get3A_397 : vector<16xf32> to vector<16xf32>
      %gt3A_399 = arith.cmpf ogt, %get3A_398, %scan3A_312 : vector<16xf32>
      %select_n3A_400 = arith.select %gt3A_399, %get3A_398, %scan3A_312 : vector<16xi1>, vector<16xf32>
      %broadcast_in_dim3A_401 = vector.broadcast %scan3A_307 : i32 to vector<16xi32>
      %select_n3A_402 = arith.select %gt3A_399, %broadcast_in_dim3A_401, %scan3A_320 : vector<16xi1>, vector<16xi32>
      %mul3A_403 = arith.constant 8 : i32
      %mul3A_404 = arith.muli %scan3A_307, %mul3A_403 : i32
      %add3A_405 = arith.constant 5 : i32
      %add3A_406 = arith.addi %mul3A_404, %add3A_405 : i32
      %mul3A_407 = arith.constant 16 : i32
      %mul3A_408 = arith.muli %add3A_406, %mul3A_407 : i32
      %get3A_409 = arith.constant 0 : i32
      %get3A_410 = tpu.memref_slice %arg4[%scan3A, %get3A_409] : memref<2x32768xf32, #tpu.memory_space<vmem>> -> memref<1x32768xf32, #tpu.memory_space<vmem>>
      %get3A_411 = tpu.memref_squeeze %get3A_410 : memref<1x32768xf32, #tpu.memory_space<vmem>> -> memref<32768xf32, #tpu.memory_space<vmem>>
      %get3A_412 = arith.index_cast %mul3A_408 : i32 to index
      %get3A_413 = tpu.vector_load %get3A_411[%get3A_412] {strides = array<i32>} : memref<32768xf32, #tpu.memory_space<vmem>>, vector<16xf32>,
      %get3A_414 = vector.shape_cast %get3A_413 : vector<16xf32> to vector<16xf32>
      %gt3A_415 = arith.cmpf ogt, %get3A_414, %scan3A_313 : vector<16xf32>
      %select_n3A_416 = arith.select %gt3A_415, %get3A_414, %scan3A_313 : vector<16xi1>, vector<16xf32>
      %broadcast_in_dim3A_417 = vector.broadcast %scan3A_307 : i32 to vector<16xi32>
      %select_n3A_418 = arith.select %gt3A_415, %broadcast_in_dim3A_417, %scan3A_321 : vector<16xi1>, vector<16xi32>
      %mul3A_419 = arith.constant 8 : i32
      %mul3A_420 = arith.muli %scan3A_307, %mul3A_419 : i32
      %add3A_421 = arith.constant 6 : i32
      %add3A_422 = arith.addi %mul3A_420, %add3A_421 : i32
      %mul3A_423 = arith.constant 16 : i32
      %mul3A_424 = arith.muli %add3A_422, %mul3A_423 : i32
      %get3A_425 = arith.constant 0 : i32
      %get3A_426 = tpu.memref_slice %arg4[%scan3A, %get3A_425] : memref<2x32768xf32, #tpu.memory_space<vmem>> -> memref<1x32768xf32, #tpu.memory_space<vmem>>
      %get3A_427 = tpu.memref_squeeze %get3A_426 : memref<1x32768xf32, #tpu.memory_space<vmem>> -> memref<32768xf32, #tpu.memory_space<vmem>>
      %get3A_428 = arith.index_cast %mul3A_424 : i32 to index
      %get3A_429 = tpu.vector_load %get3A_427[%get3A_428] {strides = array<i32>} : memref<32768xf32, #tpu.memory_space<vmem>>, vector<16xf32>,
      %get3A_430 = vector.shape_cast %get3A_429 : vector<16xf32> to vector<16xf32>
      %gt3A_431 = arith.cmpf ogt, %get3A_430, %scan3A_314 : vector<16xf32>
      %select_n3A_432 = arith.select %gt3A_431, %get3A_430, %scan3A_314 : vector<16xi1>, vector<16xf32>
      %broadcast_in_dim3A_433 = vector.broadcast %scan3A_307 : i32 to vector<16xi32>
      %select_n3A_434 = arith.select %gt3A_431, %broadcast_in_dim3A_433, %scan3A_322 : vector<16xi1>, vector<16xi32>
      %mul3A_435 = arith.constant 8 : i32
      %mul3A_436 = arith.muli %scan3A_307, %mul3A_435 : i32
      %add3A_437 = arith.constant 7 : i32
      %add3A_438 = arith.addi %mul3A_436, %add3A_437 : i32
      %mul3A_439 = arith.constant 16 : i32
      %mul3A_440 = arith.muli %add3A_438, %mul3A_439 : i32
      %get3A_441 = arith.constant 0 : i32
      %get3A_442 = tpu.memref_slice %arg4[%scan3A, %get3A_441] : memref<2x32768xf32, #tpu.memory_space<vmem>> -> memref<1x32768xf32, #tpu.memory_space<vmem>>
      %get3A_443 = tpu.memref_squeeze %get3A_442 : memref<1x32768xf32, #tpu.memory_space<vmem>> -> memref<32768xf32, #tpu.memory_space<vmem>>
      %get3A_444 = arith.index_cast %mul3A_440 : i32 to index
      %get3A_445 = tpu.vector_load %get3A_443[%get3A_444] {strides = array<i32>} : memref<32768xf32, #tpu.memory_space<vmem>>, vector<16xf32>,
      %get3A_446 = vector.shape_cast %get3A_445 : vector<16xf32> to vector<16xf32>
      %gt3A_447 = arith.cmpf ogt, %get3A_446, %scan3A_315 : vector<16xf32>
      %select_n3A_448 = arith.select %gt3A_447, %get3A_446, %scan3A_315 : vector<16xi1>, vector<16xf32>
      %broadcast_in_dim3A_449 = vector.broadcast %scan3A_307 : i32 to vector<16xi32>
      %select_n3A_450 = arith.select %gt3A_447, %broadcast_in_dim3A_449, %scan3A_323 : vector<16xi1>, vector<16xi32>
      %scan3A_451 = arith.constant 1 : i32
      %scan3A_452 = arith.addi %scan3A_307, %scan3A_451 : i32
      %mul3A_453 = arith.constant 8 : i32
      %mul3A_454 = arith.muli %scan3A_452, %mul3A_453 : i32
      %add3A_455 = arith.constant 0 : i32
      %add3A_456 = arith.addi %mul3A_454, %add3A_455 : i32
      %mul3A_457 = arith.constant 16 : i32
      %mul3A_458 = arith.muli %add3A_456, %mul3A_457 : i32
      %get3A_459 = arith.constant 0 : i32
      %get3A_460 = tpu.memref_slice %arg4[%scan3A, %get3A_459] : memref<2x32768xf32, #tpu.memory_space<vmem>> -> memref<1x32768xf32, #tpu.memory_space<vmem>>
      %get3A_461 = tpu.memref_squeeze %get3A_460 : memref<1x32768xf32, #tpu.memory_space<vmem>> -> memref<32768xf32, #tpu.memory_space<vmem>>
      %get3A_462 = arith.index_cast %mul3A_458 : i32 to index
      %get3A_463 = tpu.vector_load %get3A_461[%get3A_462] {strides = array<i32>} : memref<32768xf32, #tpu.memory_space<vmem>>, vector<16xf32>,
      %get3A_464 = vector.shape_cast %get3A_463 : vector<16xf32> to vector<16xf32>
      %gt3A_465 = arith.cmpf ogt, %get3A_464, %select_n3A_336 : vector<16xf32>
      %select_n3A_466 = arith.select %gt3A_465, %get3A_464, %select_n3A_336 : vector<16xi1>, vector<16xf32>
      %broadcast_in_dim3A_467 = vector.broadcast %scan3A_452 : i32 to vector<16xi32>
      %select_n3A_468 = arith.select %gt3A_465, %broadcast_in_dim3A_467, %select_n3A_338 : vector<16xi1>, vector<16xi32>
      %mul3A_469 = arith.constant 8 : i32
      %mul3A_470 = arith.muli %scan3A_452, %mul3A_469 : i32
      %add3A_471 = arith.constant 1 : i32
      %add3A_472 = arith.addi %mul3A_470, %add3A_471 : i32
      %mul3A_473 = arith.constant 16 : i32
      %mul3A_474 = arith.muli %add3A_472, %mul3A_473 : i32
      %get3A_475 = arith.constant 0 : i32
      %get3A_476 = tpu.memref_slice %arg4[%scan3A, %get3A_475] : memref<2x32768xf32, #tpu.memory_space<vmem>> -> memref<1x32768xf32, #tpu.memory_space<vmem>>
      %get3A_477 = tpu.memref_squeeze %get3A_476 : memref<1x32768xf32, #tpu.memory_space<vmem>> -> memref<32768xf32, #tpu.memory_space<vmem>>
      %get3A_478 = arith.index_cast %mul3A_474 : i32 to index
      %get3A_479 = tpu.vector_load %get3A_477[%get3A_478] {strides = array<i32>} : memref<32768xf32, #tpu.memory_space<vmem>>, vector<16xf32>,
      %get3A_480 = vector.shape_cast %get3A_479 : vector<16xf32> to vector<16xf32>
      %gt3A_481 = arith.cmpf ogt, %get3A_480, %select_n3A_352 : vector<16xf32>
      %select_n3A_482 = arith.select %gt3A_481, %get3A_480, %select_n3A_352 : vector<16xi1>, vector<16xf32>
      %broadcast_in_dim3A_483 = vector.broadcast %scan3A_452 : i32 to vector<16xi32>
      %select_n3A_484 = arith.select %gt3A_481, %broadcast_in_dim3A_483, %select_n3A_354 : vector<16xi1>, vector<16xi32>
      %mul3A_485 = arith.constant 8 : i32
      %mul3A_486 = arith.muli %scan3A_452, %mul3A_485 : i32
      %add3A_487 = arith.constant 2 : i32
      %add3A_488 = arith.addi %mul3A_486, %add3A_487 : i32
      %mul3A_489 = arith.constant 16 : i32
      %mul3A_490 = arith.muli %add3A_488, %mul3A_489 : i32
      %get3A_491 = arith.constant 0 : i32
      %get3A_492 = tpu.memref_slice %arg4[%scan3A, %get3A_491] : memref<2x32768xf32, #tpu.memory_space<vmem>> -> memref<1x32768xf32, #tpu.memory_space<vmem>>
      %get3A_493 = tpu.memref_squeeze %get3A_492 : memref<1x32768xf32, #tpu.memory_space<vmem>> -> memref<32768xf32, #tpu.memory_space<vmem>>
      %get3A_494 = arith.index_cast %mul3A_490 : i32 to index
      %get3A_495 = tpu.vector_load %get3A_493[%get3A_494] {strides = array<i32>} : memref<32768xf32, #tpu.memory_space<vmem>>, vector<16xf32>,
      %get3A_496 = vector.shape_cast %get3A_495 : vector<16xf32> to vector<16xf32>
      %gt3A_497 = arith.cmpf ogt, %get3A_496, %select_n3A_368 : vector<16xf32>
      %select_n3A_498 = arith.select %gt3A_497, %get3A_496, %select_n3A_368 : vector<16xi1>, vector<16xf32>
      %broadcast_in_dim3A_499 = vector.broadcast %scan3A_452 : i32 to vector<16xi32>
      %select_n3A_500 = arith.select %gt3A_497, %broadcast_in_dim3A_499, %select_n3A_370 : vector<16xi1>, vector<16xi32>
      %mul3A_501 = arith.constant 8 : i32
      %mul3A_502 = arith.muli %scan3A_452, %mul3A_501 : i32
      %add3A_503 = arith.constant 3 : i32
      %add3A_504 = arith.addi %mul3A_502, %add3A_503 : i32
      %mul3A_505 = arith.constant 16 : i32
      %mul3A_506 = arith.muli %add3A_504, %mul3A_505 : i32
      %get3A_507 = arith.constant 0 : i32
      %get3A_508 = tpu.memref_slice %arg4[%scan3A, %get3A_507] : memref<2x32768xf32, #tpu.memory_space<vmem>> -> memref<1x32768xf32, #tpu.memory_space<vmem>>
      %get3A_509 = tpu.memref_squeeze %get3A_508 : memref<1x32768xf32, #tpu.memory_space<vmem>> -> memref<32768xf32, #tpu.memory_space<vmem>>
      %get3A_510 = arith.index_cast %mul3A_506 : i32 to index
      %get3A_511 = tpu.vector_load %get3A_509[%get3A_510] {strides = array<i32>} : memref<32768xf32, #tpu.memory_space<vmem>>, vector<16xf32>,
      %get3A_512 = vector.shape_cast %get3A_511 : vector<16xf32> to vector<16xf32>
      %gt3A_513 = arith.cmpf ogt, %get3A_512, %select_n3A_384 : vector<16xf32>
      %select_n3A_514 = arith.select %gt3A_513, %get3A_512, %select_n3A_384 : vector<16xi1>, vector<16xf32>
      %broadcast_in_dim3A_515 = vector.broadcast %scan3A_452 : i32 to vector<16xi32>
      %select_n3A_516 = arith.select %gt3A_513, %broadcast_in_dim3A_515, %select_n3A_386 : vector<16xi1>, vector<16xi32>
      %mul3A_517 = arith.constant 8 : i32
      %mul3A_518 = arith.muli %scan3A_452, %mul3A_517 : i32
      %add3A_519 = arith.constant 4 : i32
      %add3A_520 = arith.addi %mul3A_518, %add3A_519 : i32
      %mul3A_521 = arith.constant 16 : i32
      %mul3A_522 = arith.muli %add3A_520, %mul3A_521 : i32
      %get3A_523 = arith.constant 0 : i32
      %get3A_524 = tpu.memref_slice %arg4[%scan3A, %get3A_523] : memref<2x32768xf32, #tpu.memory_space<vmem>> -> memref<1x32768xf32, #tpu.memory_space<vmem>>
      %get3A_525 = tpu.memref_squeeze %get3A_524 : memref<1x32768xf32, #tpu.memory_space<vmem>> -> memref<32768xf32, #tpu.memory_space<vmem>>
      %get3A_526 = arith.index_cast %mul3A_522 : i32 to index
      %get3A_527 = tpu.vector_load %get3A_525[%get3A_526] {strides = array<i32>} : memref<32768xf32, #tpu.memory_space<vmem>>, vector<16xf32>,
      %get3A_528 = vector.shape_cast %get3A_527 : vector<16xf32> to vector<16xf32>
      %gt3A_529 = arith.cmpf ogt, %get3A_528, %select_n3A_400 : vector<16xf32>
      %select_n3A_530 = arith.select %gt3A_529, %get3A_528, %select_n3A_400 : vector<16xi1>, vector<16xf32>
      %broadcast_in_dim3A_531 = vector.broadcast %scan3A_452 : i32 to vector<16xi32>
      %select_n3A_532 = arith.select %gt3A_529, %broadcast_in_dim3A_531, %select_n3A_402 : vector<16xi1>, vector<16xi32>
      %mul3A_533 = arith.constant 8 : i32
      %mul3A_534 = arith.muli %scan3A_452, %mul3A_533 : i32
      %add3A_535 = arith.constant 5 : i32
      %add3A_536 = arith.addi %mul3A_534, %add3A_535 : i32
      %mul3A_537 = arith.constant 16 : i32
      %mul3A_538 = arith.muli %add3A_536, %mul3A_537 : i32
      %get3A_539 = arith.constant 0 : i32
      %get3A_540 = tpu.memref_slice %arg4[%scan3A, %get3A_539] : memref<2x32768xf32, #tpu.memory_space<vmem>> -> memref<1x32768xf32, #tpu.memory_space<vmem>>
      %get3A_541 = tpu.memref_squeeze %get3A_540 : memref<1x32768xf32, #tpu.memory_space<vmem>> -> memref<32768xf32, #tpu.memory_space<vmem>>
      %get3A_542 = arith.index_cast %mul3A_538 : i32 to index
      %get3A_543 = tpu.vector_load %get3A_541[%get3A_542] {strides = array<i32>} : memref<32768xf32, #tpu.memory_space<vmem>>, vector<16xf32>,
      %get3A_544 = vector.shape_cast %get3A_543 : vector<16xf32> to vector<16xf32>
      %gt3A_545 = arith.cmpf ogt, %get3A_544, %select_n3A_416 : vector<16xf32>
      %select_n3A_546 = arith.select %gt3A_545, %get3A_544, %select_n3A_416 : vector<16xi1>, vector<16xf32>
      %broadcast_in_dim3A_547 = vector.broadcast %scan3A_452 : i32 to vector<16xi32>
      %select_n3A_548 = arith.select %gt3A_545, %broadcast_in_dim3A_547, %select_n3A_418 : vector<16xi1>, vector<16xi32>
      %mul3A_549 = arith.constant 8 : i32
      %mul3A_550 = arith.muli %scan3A_452, %mul3A_549 : i32
      %add3A_551 = arith.constant 6 : i32
      %add3A_552 = arith.addi %mul3A_550, %add3A_551 : i32
      %mul3A_553 = arith.constant 16 : i32
      %mul3A_554 = arith.muli %add3A_552, %mul3A_553 : i32
      %get3A_555 = arith.constant 0 : i32
      %get3A_556 = tpu.memref_slice %arg4[%scan3A, %get3A_555] : memref<2x32768xf32, #tpu.memory_space<vmem>> -> memref<1x32768xf32, #tpu.memory_space<vmem>>
      %get3A_557 = tpu.memref_squeeze %get3A_556 : memref<1x32768xf32, #tpu.memory_space<vmem>> -> memref<32768xf32, #tpu.memory_space<vmem>>
      %get3A_558 = arith.index_cast %mul3A_554 : i32 to index
      %get3A_559 = tpu.vector_load %get3A_557[%get3A_558] {strides = array<i32>} : memref<32768xf32, #tpu.memory_space<vmem>>, vector<16xf32>,
      %get3A_560 = vector.shape_cast %get3A_559 : vector<16xf32> to vector<16xf32>
      %gt3A_561 = arith.cmpf ogt, %get3A_560, %select_n3A_432 : vector<16xf32>
      %select_n3A_562 = arith.select %gt3A_561, %get3A_560, %select_n3A_432 : vector<16xi1>, vector<16xf32>
      %broadcast_in_dim3A_563 = vector.broadcast %scan3A_452 : i32 to vector<16xi32>
      %select_n3A_564 = arith.select %gt3A_561, %broadcast_in_dim3A_563, %select_n3A_434 : vector<16xi1>, vector<16xi32>
      %mul3A_565 = arith.constant 8 : i32
      %mul3A_566 = arith.muli %scan3A_452, %mul3A_565 : i32
      %add3A_567 = arith.constant 7 : i32
      %add3A_568 = arith.addi %mul3A_566, %add3A_567 : i32
      %mul3A_569 = arith.constant 16 : i32
      %mul3A_570 = arith.muli %add3A_568, %mul3A_569 : i32
      %get3A_571 = arith.constant 0 : i32
      %get3A_572 = tpu.memref_slice %arg4[%scan3A, %get3A_571] : memref<2x32768xf32, #tpu.memory_space<vmem>> -> memref<1x32768xf32, #tpu.memory_space<vmem>>
      %get3A_573 = tpu.memref_squeeze %get3A_572 : memref<1x32768xf32, #tpu.memory_space<vmem>> -> memref<32768xf32, #tpu.memory_space<vmem>>
      %get3A_574 = arith.index_cast %mul3A_570 : i32 to index
      %get3A_575 = tpu.vector_load %get3A_573[%get3A_574] {strides = array<i32>} : memref<32768xf32, #tpu.memory_space<vmem>>, vector<16xf32>,
      %get3A_576 = vector.shape_cast %get3A_575 : vector<16xf32> to vector<16xf32>
      %gt3A_577 = arith.cmpf ogt, %get3A_576, %select_n3A_448 : vector<16xf32>
      %select_n3A_578 = arith.select %gt3A_577, %get3A_576, %select_n3A_448 : vector<16xi1>, vector<16xf32>
      %broadcast_in_dim3A_579 = vector.broadcast %scan3A_452 : i32 to vector<16xi32>
      %select_n3A_580 = arith.select %gt3A_577, %broadcast_in_dim3A_579, %select_n3A_450 : vector<16xi1>, vector<16xi32>
      scf.yield %select_n3A_466, %select_n3A_482, %select_n3A_498, %select_n3A_514, %select_n3A_530, %select_n3A_546, %select_n3A_562, %select_n3A_578, %select_n3A_468, %select_n3A_484, %select_n3A_500, %select_n3A_516, %select_n3A_532, %select_n3A_548, %select_n3A_564, %select_n3A_580 : vector<16xf32>, vector<16xf32>, vector<16xf32>, vector<16xf32>, vector<16xf32>, vector<16xf32>, vector<16xf32>, vector<16xf32>, vector<16xi32>, vector<16xi32>, vector<16xi32>, vector<16xi32>, vector<16xi32>, vector<16xi32>, vector<16xi32>, vector<16xi32>
    }
    %scan3A_65 = arith.constant 256 : i32
    %mul3A_66 = arith.constant 8 : i32
    %mul3A_67 = vector.broadcast %mul3A_66 : i32 to vector<16xi32>
    %mul3A_68 = arith.muli %scan3A_64#8, %mul3A_67 : vector<16xi32>
    %add3A_69 = arith.constant 0 : i32
    %add3A_70 = vector.broadcast %add3A_69 : i32 to vector<16xi32>
    %add3A_71 = arith.addi %mul3A_68, %add3A_70 : vector<16xi32>
    %mul3A_72 = arith.constant 16 : i32
    %mul3A_73 = vector.broadcast %mul3A_72 : i32 to vector<16xi32>
    %mul3A_74 = arith.muli %add3A_71, %mul3A_73 : vector<16xi32>
    %add3A_75 = arith.addi %mul3A_74, %iota3A : vector<16xi32>
    %mul3A_76 = arith.constant 8 : i32
    %mul3A_77 = vector.broadcast %mul3A_76 : i32 to vector<16xi32>
    %mul3A_78 = arith.muli %scan3A_64#9, %mul3A_77 : vector<16xi32>
    %add3A_79 = arith.constant 1 : i32
    %add3A_80 = vector.broadcast %add3A_79 : i32 to vector<16xi32>
    %add3A_81 = arith.addi %mul3A_78, %add3A_80 : vector<16xi32>
    %mul3A_82 = arith.constant 16 : i32
    %mul3A_83 = vector.broadcast %mul3A_82 : i32 to vector<16xi32>
    %mul3A_84 = arith.muli %add3A_81, %mul3A_83 : vector<16xi32>
    %add3A_85 = arith.addi %mul3A_84, %iota3A : vector<16xi32>
    %mul3A_86 = arith.constant 8 : i32
    %mul3A_87 = vector.broadcast %mul3A_86 : i32 to vector<16xi32>
    %mul3A_88 = arith.muli %scan3A_64#10, %mul3A_87 : vector<16xi32>
    %add3A_89 = arith.constant 2 : i32
    %add3A_90 = vector.broadcast %add3A_89 : i32 to vector<16xi32>
    %add3A_91 = arith.addi %mul3A_88, %add3A_90 : vector<16xi32>
    %mul3A_92 = arith.constant 16 : i32
    %mul3A_93 = vector.broadcast %mul3A_92 : i32 to vector<16xi32>
    %mul3A_94 = arith.muli %add3A_91, %mul3A_93 : vector<16xi32>
    %add3A_95 = arith.addi %mul3A_94, %iota3A : vector<16xi32>
    %mul3A_96 = arith.constant 8 : i32
    %mul3A_97 = vector.broadcast %mul3A_96 : i32 to vector<16xi32>
    %mul3A_98 = arith.muli %scan3A_64#11, %mul3A_97 : vector<16xi32>
    %add3A_99 = arith.constant 3 : i32
    %add3A_100 = vector.broadcast %add3A_99 : i32 to vector<16xi32>
    %add3A_101 = arith.addi %mul3A_98, %add3A_100 : vector<16xi32>
    %mul3A_102 = arith.constant 16 : i32
    %mul3A_103 = vector.broadcast %mul3A_102 : i32 to vector<16xi32>
    %mul3A_104 = arith.muli %add3A_101, %mul3A_103 : vector<16xi32>
    %add3A_105 = arith.addi %mul3A_104, %iota3A : vector<16xi32>
    %mul3A_106 = arith.constant 8 : i32
    %mul3A_107 = vector.broadcast %mul3A_106 : i32 to vector<16xi32>
    %mul3A_108 = arith.muli %scan3A_64#12, %mul3A_107 : vector<16xi32>
    %add3A_109 = arith.constant 4 : i32
    %add3A_110 = vector.broadcast %add3A_109 : i32 to vector<16xi32>
    %add3A_111 = arith.addi %mul3A_108, %add3A_110 : vector<16xi32>
    %mul3A_112 = arith.constant 16 : i32
    %mul3A_113 = vector.broadcast %mul3A_112 : i32 to vector<16xi32>
    %mul3A_114 = arith.muli %add3A_111, %mul3A_113 : vector<16xi32>
    %add3A_115 = arith.addi %mul3A_114, %iota3A : vector<16xi32>
    %mul3A_116 = arith.constant 8 : i32
    %mul3A_117 = vector.broadcast %mul3A_116 : i32 to vector<16xi32>
    %mul3A_118 = arith.muli %scan3A_64#13, %mul3A_117 : vector<16xi32>
    %add3A_119 = arith.constant 5 : i32
    %add3A_120 = vector.broadcast %add3A_119 : i32 to vector<16xi32>
    %add3A_121 = arith.addi %mul3A_118, %add3A_120 : vector<16xi32>
    %mul3A_122 = arith.constant 16 : i32
    %mul3A_123 = vector.broadcast %mul3A_122 : i32 to vector<16xi32>
    %mul3A_124 = arith.muli %add3A_121, %mul3A_123 : vector<16xi32>
    %add3A_125 = arith.addi %mul3A_124, %iota3A : vector<16xi32>
    %mul3A_126 = arith.constant 8 : i32
    %mul3A_127 = vector.broadcast %mul3A_126 : i32 to vector<16xi32>
    %mul3A_128 = arith.muli %scan3A_64#14, %mul3A_127 : vector<16xi32>
    %add3A_129 = arith.constant 6 : i32
    %add3A_130 = vector.broadcast %add3A_129 : i32 to vector<16xi32>
    %add3A_131 = arith.addi %mul3A_128, %add3A_130 : vector<16xi32>
    %mul3A_132 = arith.constant 16 : i32
    %mul3A_133 = vector.broadcast %mul3A_132 : i32 to vector<16xi32>
    %mul3A_134 = arith.muli %add3A_131, %mul3A_133 : vector<16xi32>
    %add3A_135 = arith.addi %mul3A_134, %iota3A : vector<16xi32>
    %mul3A_136 = arith.constant 8 : i32
    %mul3A_137 = vector.broadcast %mul3A_136 : i32 to vector<16xi32>
    %mul3A_138 = arith.muli %scan3A_64#15, %mul3A_137 : vector<16xi32>
    %add3A_139 = arith.constant 7 : i32
    %add3A_140 = vector.broadcast %add3A_139 : i32 to vector<16xi32>
    %add3A_141 = arith.addi %mul3A_138, %add3A_140 : vector<16xi32>
    %mul3A_142 = arith.constant 16 : i32
    %mul3A_143 = vector.broadcast %mul3A_142 : i32 to vector<16xi32>
    %mul3A_144 = arith.muli %add3A_141, %mul3A_143 : vector<16xi32>
    %add3A_145 = arith.addi %mul3A_144, %iota3A : vector<16xi32>
    %gt3A = arith.cmpf ogt, %scan3A_64#4, %scan3A_64#0 : vector<16xf32>
    %eq3A = arith.cmpf oeq, %scan3A_64#4, %scan3A_64#0 : vector<16xf32>
    %lt3A = arith.cmpi slt, %add3A_115, %add3A_75 : vector<16xi32>
    %and3A = arith.andi %eq3A, %lt3A : vector<16xi1>
    %or3A = arith.ori %gt3A, %and3A : vector<16xi1>
    %select_n3A = arith.select %or3A, %scan3A_64#4, %scan3A_64#0 : vector<16xi1>, vector<16xf32>
    %select_n3A_146 = arith.select %or3A, %add3A_115, %add3A_75 : vector<16xi1>, vector<16xi32>
    %gt3A_147 = arith.cmpf ogt, %scan3A_64#5, %scan3A_64#1 : vector<16xf32>
    %eq3A_148 = arith.cmpf oeq, %scan3A_64#5, %scan3A_64#1 : vector<16xf32>
    %lt3A_149 = arith.cmpi slt, %add3A_125, %add3A_85 : vector<16xi32>
    %and3A_150 = arith.andi %eq3A_148, %lt3A_149 : vector<16xi1>
    %or3A_151 = arith.ori %gt3A_147, %and3A_150 : vector<16xi1>
    %select_n3A_152 = arith.select %or3A_151, %scan3A_64#5, %scan3A_64#1 : vector<16xi1>, vector<16xf32>
    %select_n3A_153 = arith.select %or3A_151, %add3A_125, %add3A_85 : vector<16xi1>, vector<16xi32>
    %gt3A_154 = arith.cmpf ogt, %scan3A_64#6, %scan3A_64#2 : vector<16xf32>
    %eq3A_155 = arith.cmpf oeq, %scan3A_64#6, %scan3A_64#2 : vector<16xf32>
    %lt3A_156 = arith.cmpi slt, %add3A_135, %add3A_95 : vector<16xi32>
    %and3A_157 = arith.andi %eq3A_155, %lt3A_156 : vector<16xi1>
    %or3A_158 = arith.ori %gt3A_154, %and3A_157 : vector<16xi1>
    %select_n3A_159 = arith.select %or3A_158, %scan3A_64#6, %scan3A_64#2 : vector<16xi1>, vector<16xf32>
    %select_n3A_160 = arith.select %or3A_158, %add3A_135, %add3A_95 : vector<16xi1>, vector<16xi32>
    %gt3A_161 = arith.cmpf ogt, %scan3A_64#7, %scan3A_64#3 : vector<16xf32>
    %eq3A_162 = arith.cmpf oeq, %scan3A_64#7, %scan3A_64#3 : vector<16xf32>
    %lt3A_163 = arith.cmpi slt, %add3A_145, %add3A_105 : vector<16xi32>
    %and3A_164 = arith.andi %eq3A_162, %lt3A_163 : vector<16xi1>
    %or3A_165 = arith.ori %gt3A_161, %and3A_164 : vector<16xi1>
    %select_n3A_166 = arith.select %or3A_165, %scan3A_64#7, %scan3A_64#3 : vector<16xi1>, vector<16xf32>
    %select_n3A_167 = arith.select %or3A_165, %add3A_145, %add3A_105 : vector<16xi1>, vector<16xi32>
    %gt3A_168 = arith.cmpf ogt, %select_n3A_159, %select_n3A : vector<16xf32>
    %eq3A_169 = arith.cmpf oeq, %select_n3A_159, %select_n3A : vector<16xf32>
    %lt3A_170 = arith.cmpi slt, %select_n3A_160, %select_n3A_146 : vector<16xi32>
    %and3A_171 = arith.andi %eq3A_169, %lt3A_170 : vector<16xi1>
    %or3A_172 = arith.ori %gt3A_168, %and3A_171 : vector<16xi1>
    %select_n3A_173 = arith.select %or3A_172, %select_n3A_159, %select_n3A : vector<16xi1>, vector<16xf32>
    %select_n3A_174 = arith.select %or3A_172, %select_n3A_160, %select_n3A_146 : vector<16xi1>, vector<16xi32>
    %gt3A_175 = arith.cmpf ogt, %select_n3A_166, %select_n3A_152 : vector<16xf32>
    %eq3A_176 = arith.cmpf oeq, %select_n3A_166, %select_n3A_152 : vector<16xf32>
    %lt3A_177 = arith.cmpi slt, %select_n3A_167, %select_n3A_153 : vector<16xi32>
    %and3A_178 = arith.andi %eq3A_176, %lt3A_177 : vector<16xi1>
    %or3A_179 = arith.ori %gt3A_175, %and3A_178 : vector<16xi1>
    %select_n3A_180 = arith.select %or3A_179, %select_n3A_166, %select_n3A_152 : vector<16xi1>, vector<16xf32>
    %select_n3A_181 = arith.select %or3A_179, %select_n3A_167, %select_n3A_153 : vector<16xi1>, vector<16xi32>
    %gt3A_182 = arith.cmpf ogt, %select_n3A_180, %select_n3A_173 : vector<16xf32>
    %eq3A_183 = arith.cmpf oeq, %select_n3A_180, %select_n3A_173 : vector<16xf32>
    %lt3A_184 = arith.cmpi slt, %select_n3A_181, %select_n3A_174 : vector<16xi32>
    %and3A_185 = arith.andi %eq3A_183, %lt3A_184 : vector<16xi1>
    %or3A_186 = arith.ori %gt3A_182, %and3A_185 : vector<16xi1>
    %select_n3A_187 = arith.select %or3A_186, %select_n3A_180, %select_n3A_173 : vector<16xi1>, vector<16xf32>
    %select_n3A_188 = arith.select %or3A_186, %select_n3A_181, %select_n3A_174 : vector<16xi1>, vector<16xi32>
    %xor3A = arith.constant 1 : i32
    %xor3A_189 = vector.broadcast %xor3A : i32 to vector<16xi32>
    %xor3A_190 = arith.xori %iota3A, %xor3A_189 : vector<16xi32>
    %lt3A_191 = arith.constant 0 : i32
    %lt3A_192 = vector.broadcast %lt3A_191 : i32 to vector<16xi32>
    %lt3A_193 = arith.cmpi slt, %xor3A_190, %lt3A_192 : vector<16xi32>
    %add3A_194 = arith.constant 16 : i32
    %add3A_195 = vector.broadcast %add3A_194 : i32 to vector<16xi32>
    %add3A_196 = arith.addi %xor3A_190, %add3A_195 : vector<16xi32>
    %select_n3A_197 = arith.select %lt3A_193, %add3A_196, %xor3A_190 : vector<16xi1>, vector<16xi32>
    %broadcast_in_dim3A_198 = vector.shape_cast %select_n3A_197 : vector<16xi32> to vector<16x1xi32>
    %gather3A = vector.shape_cast %broadcast_in_dim3A_198 : vector<16x1xi32> to vector<16xi32>
    %gather3A_199 = tpu.dynamic_gather %select_n3A_187[%gather3A] in [0] : vector<16xf32>, vector<16xi32> -> vector<16xf32>
    %max3A = arith.maximumf %select_n3A_187, %gather3A_199 : vector<16xf32>
    %xor3A_200 = arith.constant 2 : i32
    %xor3A_201 = vector.broadcast %xor3A_200 : i32 to vector<16xi32>
    %xor3A_202 = arith.xori %iota3A, %xor3A_201 : vector<16xi32>
    %lt3A_203 = arith.constant 0 : i32
    %lt3A_204 = vector.broadcast %lt3A_203 : i32 to vector<16xi32>
    %lt3A_205 = arith.cmpi slt, %xor3A_202, %lt3A_204 : vector<16xi32>
    %add3A_206 = arith.constant 16 : i32
    %add3A_207 = vector.broadcast %add3A_206 : i32 to vector<16xi32>
    %add3A_208 = arith.addi %xor3A_202, %add3A_207 : vector<16xi32>
    %select_n3A_209 = arith.select %lt3A_205, %add3A_208, %xor3A_202 : vector<16xi1>, vector<16xi32>
    %broadcast_in_dim3A_210 = vector.shape_cast %select_n3A_209 : vector<16xi32> to vector<16x1xi32>
    %gather3A_211 = vector.shape_cast %broadcast_in_dim3A_210 : vector<16x1xi32> to vector<16xi32>
    %gather3A_212 = tpu.dynamic_gather %max3A[%gather3A_211] in [0] : vector<16xf32>, vector<16xi32> -> vector<16xf32>
    %max3A_213 = arith.maximumf %max3A, %gather3A_212 : vector<16xf32>
    %xor3A_214 = arith.constant 4 : i32
    %xor3A_215 = vector.broadcast %xor3A_214 : i32 to vector<16xi32>
    %xor3A_216 = arith.xori %iota3A, %xor3A_215 : vector<16xi32>
    %lt3A_217 = arith.constant 0 : i32
    %lt3A_218 = vector.broadcast %lt3A_217 : i32 to vector<16xi32>
    %lt3A_219 = arith.cmpi slt, %xor3A_216, %lt3A_218 : vector<16xi32>
    %add3A_220 = arith.constant 16 : i32
    %add3A_221 = vector.broadcast %add3A_220 : i32 to vector<16xi32>
    %add3A_222 = arith.addi %xor3A_216, %add3A_221 : vector<16xi32>
    %select_n3A_223 = arith.select %lt3A_219, %add3A_222, %xor3A_216 : vector<16xi1>, vector<16xi32>
    %broadcast_in_dim3A_224 = vector.shape_cast %select_n3A_223 : vector<16xi32> to vector<16x1xi32>
    %gather3A_225 = vector.shape_cast %broadcast_in_dim3A_224 : vector<16x1xi32> to vector<16xi32>
    %gather3A_226 = tpu.dynamic_gather %max3A_213[%gather3A_225] in [0] : vector<16xf32>, vector<16xi32> -> vector<16xf32>
    %max3A_227 = arith.maximumf %max3A_213, %gather3A_226 : vector<16xf32>
    %xor3A_228 = arith.constant 8 : i32
    %xor3A_229 = vector.broadcast %xor3A_228 : i32 to vector<16xi32>
    %xor3A_230 = arith.xori %iota3A, %xor3A_229 : vector<16xi32>
    %lt3A_231 = arith.constant 0 : i32
    %lt3A_232 = vector.broadcast %lt3A_231 : i32 to vector<16xi32>
    %lt3A_233 = arith.cmpi slt, %xor3A_230, %lt3A_232 : vector<16xi32>
    %add3A_234 = arith.constant 16 : i32
    %add3A_235 = vector.broadcast %add3A_234 : i32 to vector<16xi32>
    %add3A_236 = arith.addi %xor3A_230, %add3A_235 : vector<16xi32>
    %select_n3A_237 = arith.select %lt3A_233, %add3A_236, %xor3A_230 : vector<16xi1>, vector<16xi32>
    %broadcast_in_dim3A_238 = vector.shape_cast %select_n3A_237 : vector<16xi32> to vector<16x1xi32>
    %gather3A_239 = vector.shape_cast %broadcast_in_dim3A_238 : vector<16x1xi32> to vector<16xi32>
    %gather3A_240 = tpu.dynamic_gather %max3A_227[%gather3A_239] in [0] : vector<16xf32>, vector<16xi32> -> vector<16xf32>
    %max3A_241 = arith.maximumf %max3A_227, %gather3A_240 : vector<16xf32>
    %eq3A_242 = arith.cmpf oeq, %select_n3A_187, %max3A_241 : vector<16xf32>
    %jit3A = arith.constant 32768 : i32
    %broadcast_in_dim3A_243 = vector.broadcast %jit3A : i32 to vector<16xi32>
    %select_n3A_244 = arith.select %eq3A_242, %select_n3A_188, %broadcast_in_dim3A_243 : vector<16xi1>, vector<16xi32>
    %xor3A_245 = arith.constant 1 : i32
    %xor3A_246 = vector.broadcast %xor3A_245 : i32 to vector<16xi32>
    %xor3A_247 = arith.xori %iota3A, %xor3A_246 : vector<16xi32>
    %lt3A_248 = arith.constant 0 : i32
    %lt3A_249 = vector.broadcast %lt3A_248 : i32 to vector<16xi32>
    %lt3A_250 = arith.cmpi slt, %xor3A_247, %lt3A_249 : vector<16xi32>
    %add3A_251 = arith.constant 16 : i32
    %add3A_252 = vector.broadcast %add3A_251 : i32 to vector<16xi32>
    %add3A_253 = arith.addi %xor3A_247, %add3A_252 : vector<16xi32>
    %select_n3A_254 = arith.select %lt3A_250, %add3A_253, %xor3A_247 : vector<16xi1>, vector<16xi32>
    %broadcast_in_dim3A_255 = vector.shape_cast %select_n3A_254 : vector<16xi32> to vector<16x1xi32>
    %gather3A_256 = vector.shape_cast %broadcast_in_dim3A_255 : vector<16x1xi32> to vector<16xi32>
    %gather3A_257 = tpu.dynamic_gather %select_n3A_244[%gather3A_256] in [0] : vector<16xi32>, vector<16xi32> -> vector<16xi32>
    %min3A = arith.minsi %select_n3A_244, %gather3A_257 : vector<16xi32>
    %xor3A_258 = arith.constant 2 : i32
    %xor3A_259 = vector.broadcast %xor3A_258 : i32 to vector<16xi32>
    %xor3A_260 = arith.xori %iota3A, %xor3A_259 : vector<16xi32>
    %lt3A_261 = arith.constant 0 : i32
    %lt3A_262 = vector.broadcast %lt3A_261 : i32 to vector<16xi32>
    %lt3A_263 = arith.cmpi slt, %xor3A_260, %lt3A_262 : vector<16xi32>
    %add3A_264 = arith.constant 16 : i32
    %add3A_265 = vector.broadcast %add3A_264 : i32 to vector<16xi32>
    %add3A_266 = arith.addi %xor3A_260, %add3A_265 : vector<16xi32>
    %select_n3A_267 = arith.select %lt3A_263, %add3A_266, %xor3A_260 : vector<16xi1>, vector<16xi32>
    %broadcast_in_dim3A_268 = vector.shape_cast %select_n3A_267 : vector<16xi32> to vector<16x1xi32>
    %gather3A_269 = vector.shape_cast %broadcast_in_dim3A_268 : vector<16x1xi32> to vector<16xi32>
    %gather3A_270 = tpu.dynamic_gather %min3A[%gather3A_269] in [0] : vector<16xi32>, vector<16xi32> -> vector<16xi32>
    %min3A_271 = arith.minsi %min3A, %gather3A_270 : vector<16xi32>
    %xor3A_272 = arith.constant 4 : i32
    %xor3A_273 = vector.broadcast %xor3A_272 : i32 to vector<16xi32>
    %xor3A_274 = arith.xori %iota3A, %xor3A_273 : vector<16xi32>
    %lt3A_275 = arith.constant 0 : i32
    %lt3A_276 = vector.broadcast %lt3A_275 : i32 to vector<16xi32>
    %lt3A_277 = arith.cmpi slt, %xor3A_274, %lt3A_276 : vector<16xi32>
    %add3A_278 = arith.constant 16 : i32
    %add3A_279 = vector.broadcast %add3A_278 : i32 to vector<16xi32>
    %add3A_280 = arith.addi %xor3A_274, %add3A_279 : vector<16xi32>
    %select_n3A_281 = arith.select %lt3A_277, %add3A_280, %xor3A_274 : vector<16xi1>, vector<16xi32>
    %broadcast_in_dim3A_282 = vector.shape_cast %select_n3A_281 : vector<16xi32> to vector<16x1xi32>
    %gather3A_283 = vector.shape_cast %broadcast_in_dim3A_282 : vector<16x1xi32> to vector<16xi32>
    %gather3A_284 = tpu.dynamic_gather %min3A_271[%gather3A_283] in [0] : vector<16xi32>, vector<16xi32> -> vector<16xi32>
    %min3A_285 = arith.minsi %min3A_271, %gather3A_284 : vector<16xi32>
    %xor3A_286 = arith.constant 8 : i32
    %xor3A_287 = vector.broadcast %xor3A_286 : i32 to vector<16xi32>
    %xor3A_288 = arith.xori %iota3A, %xor3A_287 : vector<16xi32>
    %lt3A_289 = arith.constant 0 : i32
    %lt3A_290 = vector.broadcast %lt3A_289 : i32 to vector<16xi32>
    %lt3A_291 = arith.cmpi slt, %xor3A_288, %lt3A_290 : vector<16xi32>
    %add3A_292 = arith.constant 16 : i32
    %add3A_293 = vector.broadcast %add3A_292 : i32 to vector<16xi32>
    %add3A_294 = arith.addi %xor3A_288, %add3A_293 : vector<16xi32>
    %select_n3A_295 = arith.select %lt3A_291, %add3A_294, %xor3A_288 : vector<16xi1>, vector<16xi32>
    %broadcast_in_dim3A_296 = vector.shape_cast %select_n3A_295 : vector<16xi32> to vector<16x1xi32>
    %gather3A_297 = vector.shape_cast %broadcast_in_dim3A_296 : vector<16x1xi32> to vector<16xi32>
    %gather3A_298 = tpu.dynamic_gather %min3A_285[%gather3A_297] in [0] : vector<16xi32>, vector<16xi32> -> vector<16xi32>
    %min3A_299 = arith.minsi %min3A_285, %gather3A_298 : vector<16xi32>
    %eq3A_300 = arith.constant 0 : i32
    %eq3A_301 = vector.broadcast %eq3A_300 : i32 to vector<16xi32>
    %eq3A_302 = arith.cmpi eq, %iota3A, %eq3A_301 : vector<16xi32>
    %select_n3A_303 = arith.select %eq3A_302, %min3A_299, %broadcast_in_dim3A_15 : vector<16xi1>, vector<16xi32>
    %swap3A = arith.constant 0 : index
    %swap3A_304 = tpu.vector_load %arg5[%swap3A] {strides = array<i32>} : memref<16xi32, #tpu.memory_space<vmem>>, vector<16xi32>,
    %swap3A_305 = vector.shape_cast %swap3A_304 : vector<16xi32> to vector<16xi32>
    %swap3A_306 = vector.shape_cast %select_n3A_303 : vector<16xi32> to vector<16xi32>
    tpu.vector_store %arg5[%swap3A], %swap3A_306 {strides = array<i32>} : memref<16xi32, #tpu.memory_space<vmem>>, vector<16xi32>,
    "tpu.region"() ({
      %run_scoped3A = tpu.sem_alloc : memref<!tpu.dma_semaphore, #tpu.memory_space<semaphore_mem>>
      %dma_start3A_307 = arith.constant 0 : i32
      %dma_start3A_308 = tpu.memref_slice %arg3[%add3A, %dma_start3A_307] : memref<16x16xi32, #tpu.memory_space<hbm>> -> memref<1x16xi32, #tpu.memory_space<hbm>>
      %dma_start3A_309 = tpu.memref_squeeze %dma_start3A_308 : memref<1x16xi32, #tpu.memory_space<hbm>> -> memref<16xi32, #tpu.memory_space<hbm>>
      %dma_start3A_310 = arith.constant 0 : i32
      %dma_start3A_311 = tpu.memref_slice %arg3[%add3A, %dma_start3A_310] : memref<16x16xi32, #tpu.memory_space<hbm>> -> memref<1x16xi32, #tpu.memory_space<hbm>>
      %dma_start3A_312 = tpu.memref_squeeze %dma_start3A_311 : memref<1x16xi32, #tpu.memory_space<hbm>> -> memref<16xi32, #tpu.memory_space<hbm>>
      tpu.enqueue_dma source(%arg5 : memref<16xi32, #tpu.memory_space<vmem>>) target(%dma_start3A_312 : memref<16xi32, #tpu.memory_space<hbm>>) target_semaphore(%run_scoped3A : memref<!tpu.dma_semaphore, #tpu.memory_space<semaphore_mem>>)
      %dma_wait3A_313 = arith.constant 0 : i32
      %dma_wait3A_314 = tpu.memref_slice %arg3[%add3A, %dma_wait3A_313] : memref<16x16xi32, #tpu.memory_space<hbm>> -> memref<1x16xi32, #tpu.memory_space<hbm>>
      %dma_wait3A_315 = tpu.memref_squeeze %dma_wait3A_314 : memref<1x16xi32, #tpu.memory_space<hbm>> -> memref<16xi32, #tpu.memory_space<hbm>>
      %dma_wait3A_316 = arith.constant 0 : i32
      %dma_wait3A_317 = tpu.memref_slice %arg3[%add3A, %dma_wait3A_316] : memref<16x16xi32, #tpu.memory_space<hbm>> -> memref<1x16xi32, #tpu.memory_space<hbm>>
      %dma_wait3A_318 = tpu.memref_squeeze %dma_wait3A_317 : memref<1x16xi32, #tpu.memory_space<hbm>> -> memref<16xi32, #tpu.memory_space<hbm>>
      tpu.wait_dma2 semaphore(%run_scoped3A : memref<!tpu.dma_semaphore, #tpu.memory_space<semaphore_mem>>) src(%arg5 : memref<16xi32, #tpu.memory_space<vmem>>) dst(%dma_wait3A_318 : memref<16xi32, #tpu.memory_space<hbm>>)
      tpu.yield
    }) : () -> ()
    return
  }
}

module attributes {stable_mosaic.version = 14 : i64} {
  func.func @_tc_body(%arg0: i32, %arg1: memref<56x32768xf32, #tpu.memory_space<vmem>>, %arg2: memref<1x1x56xi32, #tpu.memory_space<vmem>>) attributes {dimension_semantics = [#tpu.dimension_semantics<arbitrary>], iteration_bounds = array<i64: 2>, scalar_prefetch = 0 : i64, scratch_operands = 0 : i64, tpu.core_type = #tpu.core_type<tc>, window_params = [{transform_indices = @transform_0, window_bounds = array<i64: 56, 32768>}, {transform_indices = @transform_1, window_bounds = array<i64: 1, 1, 56>}]} {
    %get3A = arith.constant 0 : index
    %get3A_0 = arith.constant 0 : index
    %get3A_1 = vector.load %arg1[%get3A, %get3A_0] : memref<56x32768xf32, #tpu.memory_space<vmem>>, vector<56x32768xf32>
    %reduce_max3A = arith.constant dense<0xFF800000> : vector<56xf32>
    %reduce_max3A_2 = vector.multi_reduction <maximumf>, %get3A_1, %reduce_max3A [1] : vector<56x32768xf32> to vector<56xf32>
    %broadcast_in_dim3A = vector.shape_cast %reduce_max3A_2 : vector<56xf32> to vector<56x1xf32>
    %iota3A = tpu.iota {dimensions = array<i32: 1>} : vector<56x32768xi32>
    %eq3A = vector.broadcast %broadcast_in_dim3A : vector<56x1xf32> to vector<56x32768xf32>
    %eq3A_3 = arith.cmpf oeq, %get3A_1, %eq3A : vector<56x32768xf32>
    %jit3A = arith.constant 32768 : i32
    %broadcast_in_dim3A_4 = vector.broadcast %jit3A : i32 to vector<56x32768xi32>
    %select_n3A = arith.select %eq3A_3, %iota3A, %broadcast_in_dim3A_4 : vector<56x32768xi1>, vector<56x32768xi32>
    %reduce_min3A = arith.constant dense<2147483647> : vector<56xi32>
    %reduce_min3A_5 = vector.multi_reduction <minsi>, %select_n3A, %reduce_min3A [1] : vector<56x32768xi32> to vector<56xi32>
    %swap3A = arith.constant 0 : index
    %swap3A_6 = arith.constant 0 : index
    %swap3A_7 = arith.constant 0 : index
    %swap3A_8 = vector.load %arg2[%swap3A, %swap3A_6, %swap3A_7] : memref<1x1x56xi32, #tpu.memory_space<vmem>>, vector<1x1x56xi32>
    %swap3A_9 = vector.shape_cast %swap3A_8 : vector<1x1x56xi32> to vector<56xi32>
    %swap3A_10 = vector.shape_cast %reduce_min3A_5 : vector<56xi32> to vector<1x1x56xi32>
    tpu.vector_store %arg2[%swap3A, %swap3A_6, %swap3A_7], %swap3A_10 {strides = array<i32>} : memref<1x1x56xi32, #tpu.memory_space<vmem>>, vector<1x1x56xi32>,
    return
  }
  func.func @transform_0(%arg0: i32) -> (i32, i32) {
    %c0_i32 = arith.constant 0 : i32
    %c0_i32_0 = arith.constant 0 : i32
    return %arg0, %c0_i32 : i32, i32
  }
  func.func @transform_1(%arg0: i32) -> (i32, i32, i32) {
    %c0_i32 = arith.constant 0 : i32
    %c0_i32_0 = arith.constant 0 : i32
    %c0_i32_1 = arith.constant 0 : i32
    return %arg0, %c0_i32, %c0_i32_0 : i32, i32, i32
  }
}

</mosaic_0001>

<sc_bundles>
// kernel: kernel.4.cloned.1.call-start
scs
__scs_entry_jumppad:
0x0: {  	(pc) =	sbr.rel $0x88, $3  }
0x1: {  	(tag) =	ssettag $0x0;
	lr =	simm.s32 $0x1  }
0x2: {  	[smem:$0x3FA0] =	sst lr;
	_ =	strace $0xD0000000  }
0x3: {  	_ = 	snop  }
0x4: {  	_ = 	snop  }
0x5: {  	_ = 	snop  }
0x6: {  	_ = 	snop  }
0x7: {  	_ = 	snop  }
__scs_overlays_trampoline_lowered:
0x8: {  	[smem:$0x3FAF] =	sst s0  }
0x9: {  	[smem:$0x3FB0] =	sst s1  }
0xa: {  	[smem:$0x3FB1] =	sst s2  }
0xb: {  	[smem:$0x3FB2] =	sst s3  }
0xc: {  	[smem:$0x3FB3] =	sst s4  }
0xd: {  	[smem:$0x3FB4] =	sst s5  }
0xe: {  	[smem:$0x3FB5] =	sst s6  }
0xf: {  	[smem:$0x3FB6] =	sst s7  }
0x10: {  	[smem:$0x3FB7] =	sst s8  }
0x11: {  	[smem:$0x3FB8] =	sst s9;
	s0 =	simm.s32 @!p0 $0x0  }
0x12: {  	s1 =	sld [smem:$0x3F9E];
	s0 =	simm.s32 @p0 $0x1  }
0x13: {  	[smem:$0x3FB9] =	sst s0;
	s0 =	simm.s32 @!p1 $0x0  }
0x14: {  	s2 =	sld [smem:$0x3F9D];
	s0 =	simm.s32 @p1 $0x1  }
0x15: {  	[smem:$0x3FBA] =	sst s0;
	s0 =	simm.s32 @!p2 $0x0  }
0x16: {  	s3 =	sld [smem:$0x3FDB];
	s0 =	simm.s32 @p2 $0x1  }
0x17: {  	s4 =	simm.s32 $0x1BF5;
	[smem:$0x3FBC] =	sst s0  }
0x18: {  	s0 =	sld [smem:$0x3F9F];
	_ =	swait.ge [sflag:s4], $0x0  }
0x19: {  	s7 =	sld [smem:$0x3FA0]  }
0x1a: {  	s8 =	sadd.s32 $0xFFFFE003, lr  }
0x1b: {  	s9 =	sadd.s32 $0xFFFFFEF7, lr;
	s5 =	simm.s32 $0xFFFFFFFF;
	p2 =	slt.u32 s8, $0xFFFFF086  }
0x1c: {  	p1 =	slt.u32 s9, $0xF7A;
	s5 =	simm.s32 @!p2 $0x0  }
0x1d: {  	s5 =	simm.s32 @p1 $0x1;
	p0 =	seq.s32 s7, s2  }
0x1e: {  	s7 =	smul.u32 @!p0 $0xF7A, s2;
	p2 =	seq.s32 @!p0 s5, $0x0  }
0x1f: {  	s9 =	smul.u32 $0xF7A, s1;
	s8 =	simm.s32 @!p0 $0x1BF5;
	p2 =	por !p2, p0  }
0x20: {  	[sflag:s8] =	ssyncset.s32 @!p0 $0xFFFFF086;
	s6 =	sadd.s32 @!p0 s3, s7;
	s7 =	simm.s32 @!p0 $0x108  }
0x21: {  	s3 =	sadd.s32 s3, s9;
	s6 =	sadd.s32 @!p0 $0x88, s6;
	s7 =	simm.s32 @p2 $0x1082  }
0x22: {  	[simem:s7], [sflag:s8] =	dma.local @!p0 [hbm:s6], $0xF7A  }
0x23: {  	s9 =	sor.u32 $0xD0000000, s2;
	s6 =	simm.s32 $0x108;
	_ =	swait.ge @!p0 [sflag:s8], $0x0  }
0x24: {  	s3 =	sadd.s32 $0x88, s3;
	s6 =	simm.s32 @!p1 $0x1082;
	[sflag:s4] =	ssyncset.s32 $0xFFFFF086  }
0x25: {  	[simem:s6], [sflag:s4] =	dma.local [hbm:s3], $0xF7A  }
0x26: {  	[smem:$0x3FA0] =	sst s1;
	(tag) =	ssettag s2;
	_ =	strace s9  }
0x27: {  	s1 =	sld [smem:$0x3FB0]  }
0x28: {  	s2 =	sld [smem:$0x3FB1]  }
0x29: {  	s4 =	sld [smem:$0x3FB3]  }
0x2a: {  	p0 =	seq.s32 s5, $0x0;
	s5 =	sld [smem:$0x3FB4]  }
0x2b: {  	s6 =	sld [smem:$0x3FB5]  }
0x2c: {  	s7 =	sld [smem:$0x3FB6]  }
0x2d: {  	s3 =	simm.s32 $0x108;
	s8 =	sld [smem:$0x3FB7]  }
0x2e: {  	s3 =	simm.s32 @!p0 $0x1082;
	s9 =	sld [smem:$0x3FB8]  }
0x2f: {  	lr =	sadd.s32 s0, s3;
	s0 =	sld [smem:$0x3FAF]  }
0x30: {  	s3 =	sld [smem:$0x3FB2]  }
0x31: {  	[smem:$0x3FBB] =	sst s10  }
0x32: {  	s10 =	sld [smem:$0x3FB9];
	_ =	sdelay $0x3  }
0x33: {  	p0 =	seq.s32 s10, $0x1;
	s10 =	sld [smem:$0x3FBB];
	_ =	sdelay $0x3  }
0x34: {  	[smem:$0x3FBB] =	sst s10  }
0x35: {  	s10 =	sld [smem:$0x3FBA];
	_ =	sdelay $0x3  }
0x36: {  	p1 =	seq.s32 s10, $0x1;
	s10 =	sld [smem:$0x3FBB];
	_ =	sdelay $0x3  }
0x37: {  	[smem:$0x3FBB] =	sst s10  }
0x38: {  	s10 =	sld [smem:$0x3FBC]  }
0x39: {  	_ = 	snop;
	(pc) =	sbr.ind lr, $3  }
0x3a: {  	_ = 	snop  }
0x3b: {  	_ = 	snop  }
0x3c: {  	p2 =	seq.s32 s10, $0x1;
	s10 =	sld [smem:$0x3FBB]  }
0x3d: {  	_ =	shalt  }
0x3e: {  	_ =	shalt  }
0x3f: {  	_ =	shalt  }
0x40: {  	_ =	shalt  }
0x41: {  	_ =	shalt  }
0x42: {  	_ =	shalt  }
0x43: {  	_ =	shalt  }
0x44: {  	_ =	shalt  }
0x45: {  	_ =	shalt  }
0x46: {  	_ =	shalt  }
0x47: {  	_ =	shalt  }
0x48: {  	_ =	shalt  }
0x49: {  	_ =	shalt  }
0x4a: {  	_ =	shalt  }
0x4b: {  	_ =	shalt  }
0x4c: {  	_ =	shalt  }
0x4d: {  	_ =	shalt  }
0x4e: {  	_ =	shalt  }
0x4f: {  	_ =	shalt  }
0x50: {  	_ =	shalt  }
0x51: {  	_ =	shalt  }
0x52: {  	_ =	shalt  }
0x53: {  	_ =	shalt  }
0x54: {  	_ =	shalt  }
0x55: {  	_ =	shalt  }
0x56: {  	_ =	shalt  }
0x57: {  	_ =	shalt  }
0x58: {  	_ =	shalt  }
0x59: {  	_ =	shalt  }
0x5a: {  	_ =	shalt  }
0x5b: {  	_ =	shalt  }
0x5c: {  	_ =	shalt  }
0x5d: {  	_ =	shalt  }
0x5e: {  	_ =	shalt  }
0x5f: {  	_ =	shalt  }
0x60: {  	_ =	shalt  }
0x61: {  	_ =	shalt  }
0x62: {  	_ =	shalt  }
0x63: {  	_ =	shalt  }
0x64: {  	_ =	shalt  }
0x65: {  	_ =	shalt  }
0x66: {  	_ =	shalt  }
0x67: {  	_ =	shalt  }
0x68: {  	_ =	shalt  }
0x69: {  	_ =	shalt  }
0x6a: {  	_ =	shalt  }
0x6b: {  	_ =	shalt  }
0x6c: {  	_ =	shalt  }
0x6d: {  	_ =	shalt  }
0x6e: {  	_ =	shalt  }
0x6f: {  	_ =	shalt  }
0x70: {  	_ =	shalt  }
0x71: {  	_ =	shalt  }
0x72: {  	_ =	shalt  }
0x73: {  	_ =	shalt  }
0x74: {  	_ =	shalt  }
0x75: {  	_ =	shalt  }
0x76: {  	_ =	shalt  }
0x77: {  	_ =	shalt  }
0x78: {  	_ =	shalt  }
0x79: {  	_ =	shalt  }
0x7a: {  	_ =	shalt  }
0x7b: {  	_ =	shalt  }
0x7c: {  	_ =	shalt  }
0x7d: {  	_ =	shalt  }
0x7e: {  	_ =	shalt  }
0x7f: {  	_ =	shalt  }
0x80: {  	_ =	shalt  }
0x81: {  	_ =	shalt  }
0x82: {  	_ =	shalt  }
0x83: {  	_ =	shalt  }
0x84: {  	_ =	shalt  }
0x85: {  	_ =	shalt  }
0x86: {  	_ =	shalt  }
0x87: {  	_ =	shalt  }
.Lfunc_end0:
.L_simem_size_0:
called_computation_lowered:
.L_overlay_start_0:
0x88: {  	s0 =	sld [smem:$0x3FD9]  }
0x89: {  	s1 =	sld [smem:$0x3FFE];
	_ =	sdelay $0x3  }
0x8a: {  	s0 =	sadd.s32 s1, s0  }
0x8b: {  	[smem:$0x3FC7] =	sst s0  }
0x8c: {  	_ = 	snop  }
0x8d: {  	(tm) =	ssettm $0x1  }
0x8e: {  	s15 =	sld [smem:$0x3FFB];
	_ =	sdelay $0x3  }
0x8f: {  	_ =	strace s15  }
0x90: {  	s0 =	sld [smem:$0x3FFC];
	_ =	sdelay $0x3  }
0x91: {  	_ =	strace s0  }
0x92: {  	s0 =	sld [smem:$0x3FFD];
	_ =	sdelay $0x3  }
0x93: {  	_ =	strace s0  }
0x94: {  	_ =	strace $0x8FFFFFFF  }
0x95: {  	s16 =	sld [smem:$0x3FDB];
	_ =	sdelay $0x1  }
0x96: {  	s17 =	simm.s32 $_scs_section_size  }
0x97: {  	s2 =	simm.s32 $_size__tile_overlayer_lowered;
	s3 =	simm.s32 $_tile_overlayer_lowered  }
0x98: {  	s20 =	simm.s32 $0x1BFF;
	s19 =	sshll.u32 s3, $0x1;
	s0 =	sadd.s32 s17, s16  }
0x99: {  	s4 =	simm.s32 $0x0;
	s18 =	sshll.u32 s2, $0x1;
	s2 =	sadd.s32 s19, s0  }
0x9a: {  	[timem:s4], [sflag:s20] =	dma.local [hbm:s2], s18  }
0x9b: {  	_ =	swait.ge [sflag:s20], s18  }
0x9c: {  	s1 =	ssub.s32 $0x0, s18;
	[sflag:s20] =	ssyncset.done $0x0  }
0x9d: {  	[sflag:s20] =	ssyncadd.s32 s1;
	_ =	sdelay $0x1  }
0x9e: {  	s21 =	simm.s32 $0x1B8B  }
0x9f: {  	_ =	swait.ge [sflag:s21], $0x1  }
0xa0: {  	[sflag:s21] =	ssyncset.done $0x0  }
0xa1: {  	s23 =	simm.s32 $0x1B8E;
	s22 =	sld [smem:$0x3FFE];
	[sflag:s21] =	ssyncadd.s32 $0xFFFFFFFF  }
0xa2: {  	s24 =	simm.s32 $execute0_lowered;
	[smem:$0x3FD2] =	sst s23  }
0xa3: {  	s2 =	sshll.u32 s24, $0x1;
	_ =	strace $0x80000046;
	[dreg:$0x1] =	wrdreg $0xFFFFFFFF  }
0xa4: {  	s25 =	simm.s32 $_size_execute0_lowered;
	s0 =	sadd.s32 s0, s2;
	[dreg:$0x0] =	wrdreg $0x0  }
0xa5: {  	s2 =	sshll.u32 s25, $0x1;
	[dreg:$0x2] =	wrdreg s0  }
0xa6: {  	[dreg:$0x3] =	wrdreg s2  }
0xa7: {  	[dreg:$0x4] =	wrdreg $0xC0  }
0xa8: {  	_ =	task [dreg:s4], $0x5FFFF  }
0xa9: {  	[dreg:$0x1] =	wrdreg $0xFFFFFFFF  }
0xaa: {  	[dreg:$0x0] =	wrdreg $0x60  }
0xab: {  	[dreg:$0x2] =	wrdreg s22  }
0xac: {  	[dreg:$0x3] =	wrdreg $0x9  }
0xad: {  	_ =	task.clear_ibuf [dreg:s4], $0x4FFFF;
	_ =	strace $0x90000046  }
0xae: {  	s26 =	simm.s32 $0x9;
	_ =	strace $0x80000048  }
0xaf: {  	_ =	swait.ge [sflag:s26], $0x1  }
0xb0: {  	[sflag:s26] =	ssyncadd.s32 $0xFFFFFFFF  }
0xb1: {  	_ =	strace $0x90000048  }
0xb2: {  	_ =	sfence  }
0xb3: {  	s28 =	sld [smem:$0x0];
	_ =	sdelay $0x1  }
0xb4: {  	s29 =	srdreg.scid  }
0xb5: {  	s30 =	sshll.u32 s29, $0xD;
	s31 =	sshrl.u32 s29, $0x2  }
0xb6: {  	s1 =	sand.u32 $0x1, s29;
	s2 =	sand.u32 $0x4000, s30;
	s0 =	sadd.s32 s31, s28  }
0xb7: {  	s1 =	sor.u32 s2, s1;
	s0 =	sshll.u32 s0, $0x11  }
0xb8: {  	s0 =	sor.u32 s0, s1  }
0xb9: {  	s0 =	sadd.s32 $0x8F2B, s0  }
0xba: {  	[sflag:s0] =	ssyncadd.remote.s32 $0x1  }
0xbb: {  	_ =	sfence.sel $0xFFFF  }
0xbc: {  	[dreg:$0x0] =	wrdreg $0xFFFFFFFF;
	(pc) =	sbr.abs _section_cstart, $3  }
0xbd: {  	[dreg:$0x1] =	wrdreg $0xFFFFFFFF  }
0xbe: {  	_ =	task.clear_ibuf [dreg:s4], $0x2FFFF;
	_ =	strace $0x9FFFFFFF  }
0xbf: {  	(tm) =	ssettm $0x7FFFFFFF  }
tec
execute0_lowered:
.L_overlay_start_1:
0x0: {  	(tag) =	ssettag $0x1  }
0x1: {  	s1 =	stileid.u32  }
0x2: {  	s2 =	sshrl.u32 s1, $0x3;
	s3 =	sshll.u32 s1, $0x7  }
0x3: {  	s6 =	rddreg [dreg:$0x0];
	s3 =	sand.u32 $0x380, s3;
	s4 =	sshll.u32 s2, $0x12  }
0x4: {  	s0 =	rddreg [dreg:$0x1];
	s5 =	simm.s32 $0x0;
	s4 =	sor.u32 s3, s4  }
0x5: {  	s8 =	simm.s32 $0x100;
	s9 =	simm.s32 $0x0;
	s7 =	sshrl.u32 s4, $0x3  }
0x6: {  	[smem:$0x7FF] =	sst s5;
	s4 =	sadd.s32 $0x10000, s6;
	s6 =	sadd.s32 s6, s7  }
0x7: {  	_ =	strace $0x80000047;
	s7 =	simm.s32 $0x80;
	s10 =	sadd.s32 $0x0, s6  }
.LBB2_1:
0x8: {  	[tilespmem:s9], [sflag:$0x1] =	stream.linear.gather [hbm4b:s10+s5], $0x80, $0x38;
	[tilespmem:$0x10080] =	vst v63  }
0x9: {  	s10 =	smov.u32 s7;
	s9 =	smov.u32 s8;
	p0 =	sne.s32 s7, $0x7F80  }
.Ltmp0:
0xa: {  	s7 =	sadd.s32 $0x80, s7;
	(pc) =	sbr.rel @p0 .LBB2_1-.Ltmp0, $2  }
0xb: {  	_ =	sdelay $0x2  }
0xc: {  	s8 =	sadd.s32 $0x100, s8;
	s10 =	sadd.s32 s10, s6  }
0xd: {  	[tilespmem:s9], [sflag:$0x1] =	stream.linear.gather [hbm4b:s10+s5], $0x80, $0x38;
	[tilespmem:$0x10080] =	vst v63  }
0xe: {  	s31 =	simm.s32 $0x1  }
0xf: {  	_ =	swait.ge [sflag:s31], $0x8000  }
0x10: {  	[sflag:s31] =	ssyncset.done $0x0  }
0x11: {  	s6 =	simm.s32 $0x100;
	[sflag:s31] =	ssyncadd.s32 $0xFFFF8000  }
0x12: {  	v0 =	vld [tilespmem:s6+$0x0]  }
0x13: {  	v1 =	vld [tilespmem:s6+$0xFFFFFF00]  }
0x14: {  	v2 =	vld [tilespmem:s6+$0xFFFFFF10]  }
0x15: {  	v4 =	vld [tilespmem:s6+$0x10]  }
0x16: {  	v5 =	vld [tilespmem:s6+$0x20]  }
0x17: {  	v6 =	vld [tilespmem:s6+$0x30]  }
0x18: {  	v12 =	vimm.f32 $-Inf;
	v3 =	vimm.s32 $0x0;
	v13 =	vld [tilespmem:s6+$0x40]  }
0x19: {  	v18 =	vimm.f32 $-Inf;
	v19 =	vimm.f32 $-Inf;
	v14 =	vimm.f32 $-Inf;
	v20 =	vld [tilespmem:s6+$0xFFFFFF20]  }
0x1a: {  	v15 =	vimm.f32 $-Inf;
	v16 =	vimm.f32 $-Inf;
	v9 =	vimm.s32 $0x0;
	v22 =	vld [tilespmem:s6+$0xFFFFFF30]  }
0x1b: {  	s5 =	simm.s32 $0x0;
	v10 =	vimm.s32 $0x0;
	v24 =	vld [tilespmem:s6+$0xFFFFFF40];
	vm1 =	vgt.f32 v1, v12;
	vm0 =	vgt.f32 v2, v12  }
0x1c: {  	v17 =	vld [tilespmem:s6+$0x50];
	v1 =	vsel vm1, v1, v12;
	v7 =	vsel vm0, v2, v12;
	v8 =	vsel vm0, s5, v3  }
0x1d: {  	v21 =	vld [tilespmem:s6+$0xFFFFFF50];
	v2 =	vsel vm1, s5, v3;
	vm0 =	vgt.f32 v0, v1;
	vm1 =	vgt.f32 v4, v7  }
0x1e: {  	s7 =	simm.s32 $0x1;
	v11 =	vimm.s32 $0x0;
	v23 =	vld [tilespmem:s6+$0xFFFFFF60];
	v1 =	vsel vm0, v0, v1;
	v0 =	vsel vm1, v4, v7  }
0x1f: {  	s8 =	simm.s32 $0x2;
	v25 =	vld [tilespmem:s6+$0xFFFFFF70];
	v4 =	vsel vm1, s7, v8;
	v7 =	vimm.s32 $0x0;
	v8 =	vimm.s32 $0x0  }
.LBB2_3:
0x20: {  	p0 =	slt.u32 s8, $0xFE;
	vm1 =	vgt.f32 v20, v12;
	vm2 =	vgt.f32 v22, v18;
	vm3 =	vgt.f32 v24, v19;
	v26 =	vld [tilespmem:s6+$0x60]  }
0x21: {  	v12 =	vsel vm1, v20, v12;
	v18 =	vsel vm2, v22, v18;
	v19 =	vsel vm3, v24, v19;
	v20 =	vld [tilespmem:s6+$0x70];
	s6 =	sadd.s32 $0x200, s6  }
0x22: {  	v27 =	vld [tilespmem:s6+$0x0];
	vm4 =	vgt.f32 v5, v12;
	vm5 =	vgt.f32 v6, v18;
	vm6 =	vgt.f32 v13, v19  }
0x23: {  	v28 =	vld [tilespmem:s6+$0x10];
	v12 =	vsel vm4, v5, v12;
	v18 =	vsel vm5, v6, v18;
	v19 =	vsel vm6, v13, v19  }
0x24: {  	vm7 =	vgt.f32 v21, v14;
	vm8 =	vgt.f32 v23, v15;
	v5 =	vld [tilespmem:s6+$0x20];
	vm9 =	vgt.f32 v25, v16  }
0x25: {  	v13 =	vsel vm7, v21, v14;
	v15 =	vsel vm8, v23, v15;
	v6 =	vld [tilespmem:s6+$0x30];
	v16 =	vsel vm9, v25, v16  }
0x26: {  	vm10 =	vgt.f32 v17, v13;
	vm11 =	vgt.f32 v26, v15;
	v21 =	vld [tilespmem:s6+$0xFFFFFF00];
	vm12 =	vgt.f32 v20, v16  }
0x27: {  	v14 =	vsel vm10, v17, v13;
	v15 =	vsel vm11, v26, v15;
	v23 =	vld [tilespmem:s6+$0xFFFFFF10];
	v16 =	vsel vm12, v20, v16  }
0x28: {  	v3 =	vsel vm7, s5, v3;
	v7 =	vsel vm8, s5, v7;
	v8 =	vsel vm9, s5, v8;
	v13 =	vld [tilespmem:s6+$0x40]  }
0x29: {  	v3 =	vsel vm10, s7, v3;
	v7 =	vsel vm11, s7, v7;
	v8 =	vsel vm12, s7, v8;
	v20 =	vld [tilespmem:s6+$0xFFFFFF20]  }
0x2a: {  	v9 =	vsel vm1, s5, v9;
	v10 =	vsel vm2, s5, v10;
	v11 =	vsel vm3, s5, v11;
	s5 =	smov.u32 s8;
	v22 =	vld [tilespmem:s6+$0xFFFFFF30]  }
.Ltmp1:
0x2b: {  	v9 =	vsel vm4, s7, v9;
	v10 =	vsel vm5, s7, v10;
	v11 =	vsel vm6, s7, v11;
	v24 =	vld [tilespmem:s6+$0xFFFFFF40];
	(pc) =	sbr.rel @p0 .LBB2_3-.Ltmp1, $4  }
0x2c: {  	v2 =	vsel vm0, s7, v2;
	vm1 =	vgt.f32 v21, v1;
	vm2 =	vgt.f32 v23, v0;
	v17 =	vld [tilespmem:s6+$0x50]  }
0x2d: {  	v1 =	vsel vm1, v21, v1;
	v0 =	vsel vm2, v23, v0;
	v4 =	vsel vm2, s8, v4;
	v21 =	vld [tilespmem:s6+$0xFFFFFF50]  }
0x2e: {  	s7 =	sadd.s32 $0x1, s8;
	v2 =	vsel vm1, s8, v2;
	vm0 =	vgt.f32 v27, v1;
	v23 =	vld [tilespmem:s6+$0xFFFFFF60];
	vm1 =	vgt.f32 v28, v0  }
0x2f: {  	s8 =	sadd.s32 $0x2, s8;
	v1 =	vsel vm0, v27, v1;
	v25 =	vld [tilespmem:s6+$0xFFFFFF70];
	v0 =	vsel vm1, v28, v0;
	v4 =	vsel vm1, s7, v4  }
0x30: {  	vm1 =	vgt.f32 v20, v12  }
0x31: {  	vm2 =	vgt.f32 v22, v18;
	vm3 =	vgt.f32 v24, v19;
	v2 =	vsel vm0, s7, v2  }
0x32: {  	v34 =	vlaneseq.u32;
	v4 =	vshll.u32 v4, $0x7;
	v46 =	vimm.s32 $0xEFCDAB89  }
0x33: {  	v47 =	vimm.s32 $0x67452301;
	v50 =	vimm.s32 $0xDCFE98BA;
	v51 =	vimm.s32 $0x54761032  }
0x34: {  	v55 =	vimm.s32 $0xBA98FEDC;
	v56 =	vimm.s32 $0x32107654;
	v12 =	vsel vm1, v20, v12  }
0x35: {  	v18 =	vsel vm2, v22, v18;
	v19 =	vsel vm3, v24, v19;
	v9 =	vsel vm1, s5, v9  }
0x36: {  	v10 =	vsel vm2, s5, v10;
	v11 =	vsel vm3, s5, v11;
	v2 =	vshll.u32 v2, $0x7  }
0x37: {  	v35 =	vor.u32 $0x10, v34;
	v36 =	vor.u32 $0x20, v34;
	v37 =	vor.u32 $0x30, v34  }
0x38: {  	v38 =	vor.u32 $0x40, v34;
	v39 =	vor.u32 $0x50, v34;
	v40 =	vor.u32 $0x60, v34  }
0x39: {  	v53 =	vunpack.c.l.s4.s8 v51;
	vm4 =	vgt.f32 v5, v12;
	vm5 =	vgt.f32 v6, v18  }
0x3a: {  	vm6 =	vgt.f32 v13, v19;
	vm7 =	vgt.f32 v21, v14;
	v2 =	vor.u32 v34, v2  }
0x3b: {  	v4 =	vor.u32 v35, v4;
	v5 =	vsel vm4, v5, v12;
	v6 =	vsel vm5, v6, v18  }
0x3c: {  	v26 =	vld [tilespmem:s6+$0x60];
	v30 =	vsel vm6, v13, v19;
	vm8 =	vgt.f32 v23, v15;
	v31 =	vsel vm7, v21, v14  }
0x3d: {  	v3 =	vsel vm7, s5, v3;
	v9 =	vsel vm4, s7, v9;
	v10 =	vsel vm5, s7, v10  }
0x3e: {  	v11 =	vsel vm6, s7, v11;
	vm9 =	vgt.f32 v25, v16;
	v32 =	vsel vm8, v23, v15  }
0x3f: {  	v29 =	vld [tilespmem:s6+$0x70];
	vm10 =	vgt.f32 v17, v31;
	v7 =	vsel vm8, s5, v7;
	v9 =	vshll.u32 v9, $0x7  }
0x40: {  	v10 =	vshll.u32 v10, $0x7;
	v11 =	vshll.u32 v11, $0x7;
	v33 =	vsel vm9, v25, v16  }
0x41: {  	vm11 =	vgt.f32 v26, v32;
	v13 =	vsel vm10, v17, v31;
	v8 =	vsel vm9, s5, v8  }
0x42: {  	v3 =	vsel vm10, s7, v3;
	v9 =	vor.u32 v36, v9;
	v10 =	vor.u32 v37, v10  }
0x43: {  	v11 =	vor.u32 v38, v11;
	vm9 =	veq.f32 v30, v1;
	v16 =	vor.u32 $0x70, v34  }
0x44: {  	vm12 =	vgt.f32 v29, v33;
	v14 =	vsel vm11, v26, v32;
	v7 =	vsel vm11, s7, v7  }
0x45: {  	v3 =	vshll.u32 v3, $0x7;
	vm10 =	vlt.s32 v11, v2;
	vm11 =	vgt.f32 v30, v1  }
0x46: {  	vm13 =	veq.f32 v13, v0;
	v15 =	vsel vm12, v29, v33;
	v8 =	vsel vm12, s7, v8  }
0x47: {  	v3 =	vor.u32 v39, v3;
	v7 =	vshll.u32 v7, $0x7;
	vm0 =	vmand vm9, vm10  }
0x48: {  	vm12 =	vgt.f32 v13, v0;
	vm15 =	veq.f32 v14, v5;
	vm9 =	vgt.f32 v14, v5  }
0x49: {  	v8 =	vshll.u32 v8, $0x7;
	vm0 =	vmor vm11, vm0;
	v7 =	vor.u32 v40, v7  }
0x4a: {  	vm14 =	vlt.s32 v3, v4;
	vm11 =	vgt.f32 v15, v6;
	v8 =	vor.u32 v16, v8  }
0x4b: {  	v41 =	vsel vm0, v30, v1;
	vm2 =	vmand vm13, vm14;
	vm8 =	vlt.s32 v7, v9  }
0x4c: {  	v2 =	vsel vm0, v11, v2;
	vm1 =	vmor vm12, vm2;
	vm3 =	vmand vm15, vm8  }
0x4d: {  	vm12 =	veq.f32 v15, v6;
	vm13 =	vlt.s32 v8, v10;
	v42 =	vsel vm1, v13, v0  }
0x4e: {  	vm10 =	vmor vm9, vm3;
	v3 =	vsel vm1, v3, v4;
	vm1 =	vmand vm12, vm13  }
0x4f: {  	v43 =	vsel vm10, v14, v5;
	v44 =	vsel vm10, v7, v9;
	vm0 =	vmor vm11, vm1  }
0x50: {  	v9 =	vunpack.c.l.s4.s8 v47;
	v5 =	vunpack.c.l.s4.s8 v50;
	vm14 =	veq.f32 v43, v41  }
0x51: {  	vm15 =	vlt.s32 v44, v2;
	vm6 =	vgt.f32 v43, v41;
	v6 =	vsel vm0, v15, v6  }
0x52: {  	v45 =	vsel vm0, v8, v10;
	v8 =	vunpack.c.l.s4.s8 v46;
	vm2 =	vmand vm14, vm15  }
0x53: {  	vm8 =	vgt.f32 v6, v42;
	vm9 =	veq.f32 v6, v42;
	vm10 =	vlt.s32 v45, v3  }
0x54: {  	v49 =	vunpack.c.0.s8.s32 v9;
	vm7 =	vmor vm6, vm2;
	vm2 =	vmand vm9, vm10  }
0x55: {  	v48 =	vunpack.c.0.s8.s32 v8;
	vm1 =	vmor vm8, vm2;
	v1 =	vsel vm7, v43, v41  }
0x56: {  	v2 =	vsel vm7, v44, v2;
	v0 =	vsel vm1, v6, v42;
	v3 =	vsel vm1, v45, v3  }
0x57: {  	v4 =	vcombine.low v49, v48;
	vm12 =	veq.f32 v0, v1;
	vm13 =	vlt.s32 v3, v2  }
0x58: {  	v5 =	vunpack.c.0.s8.s32 v5;
	vm11 =	vgt.f32 v0, v1;
	vm1 =	vmand vm12, vm13  }
0x59: {  	v52 =	vand.u32 $0xF, v4;
	v4 =	vunpack.c.0.s8.s32 v53;
	vm0 =	vmor vm11, vm1  }
0x5a: {  	v7 =	vunpack.c.l.s4.s8 v55;
	v8 =	vunpack.c.l.s4.s8 v56;
	v0 =	vsel vm0, v0, v1  }
0x5b: {  	v59 =	vimm.s32 $0xFEDCBA98;
	v4 =	vcombine.low v4, v5;
	v54 =	vperm.xlane v0, v52  }
0x5c: {  	v60 =	vimm.s32 $0x76543210;
	v57 =	vunpack.c.0.s8.s32 v7;
	v58 =	vunpack.c.0.s8.s32 v8  }
0x5d: {  	v8 =	vunpack.c.l.s4.s8 v59;
	v4 =	vand.u32 $0xF, v4;
	v6 =	vmax.f32 v0, v54  }
0x5e: {  	v62 =	vunpack.c.l.s4.s8 v60;
	v5 =	vcombine.low v58, v57;
	v61 =	vperm.xlane v6, v4  }
0x5f: {  	v8 =	vunpack.c.0.s8.s32 v8  }
0x60: {  	v7 =	vunpack.c.0.s8.s32 v62;
	v5 =	vand.u32 $0xF, v5;
	v6 =	vmax.f32 v6, v61  }
0x61: {  	v8 =	vand.u32 $0xF, v8;
	v63 =	vperm.xlane v6, v5  }
0x62: {  	v7 =	vcombine.low v8, v7  }
0x63: {  	v6 =	vmax.f32 v6, v63  }
0x64: {  	v8 =	vperm.xlane v6, v7;
	_ =	sdelay $0x1  }
0x65: {  	v6 =	vmax.f32 v6, v8  }
0x66: {  	v2 =	vsel vm0, v3, v2;
	vm14 =	veq.f32 v0, v6  }
0x67: {  	v0 =	vnsel vm14, $0x8000, v2  }
0x68: {  	v1 =	vperm.xlane v0, v52;
	_ =	sdelay $0x1  }
0x69: {  	vm0 =	vlt.s32 v0, v1  }
0x6a: {  	v0 =	vsel vm0, v0, v1  }
0x6b: {  	v1 =	vperm.xlane v0, v4;
	_ =	sdelay $0x1  }
0x6c: {  	vm0 =	vlt.s32 v0, v1  }
0x6d: {  	v0 =	vsel vm0, v0, v1  }
0x6e: {  	v1 =	vperm.xlane v0, v5;
	_ =	sdelay $0x1  }
0x6f: {  	vm0 =	vlt.s32 v0, v1  }
0x70: {  	v0 =	vsel vm0, v0, v1  }
0x71: {  	v1 =	vperm.xlane v0, v7;
	_ =	sdelay $0x1  }
0x72: {  	s2 =	sshll.u32 s2, $0xA;
	vm0 =	vlt.s32 v0, v1  }
0x73: {  	s2 =	sor.u32 s3, s2;
	vm15 =	vmmov $0x1;
	v0 =	vsel vm0, v0, v1  }
0x74: {  	s29 =	simm.s32 $0x0;
	s2 =	sshrl.u32 s2, $0x3;
	v0 =	vnsel vm15, $0x0, v0  }
0x75: {  	s30 =	simm.s32 $0x10000;
	s31 =	simm.s32 $0x2;
	s2 =	sadd.s32 s4, s2;
	[tilespmem:$0x10000] =	vst v0  }
0x76: {  	[hbm4b:s2+s29] =	stream.linear.scatter [tilespmem:s30], [sflag:$0x2], $0x80, $0x38;
	[tilespmem:$0x10080] =	vst v63  }
0x77: {  	_ =	swait.ge [sflag:s31], $0x80  }
0x78: {  	[sflag:s31] =	ssyncset.done $0x0  }
0x79: {  	[sflag:s31] =	ssyncadd.s32 $0xFFFFFF80  }
0x7a: {  	_ =	sfence.sel $0x180000  }
0x7b: {  	[bflag:$0x0] =	sbarrier.arrive $0xFFFF  }
0x7c: {  	p0 =	sne.s32 s1, $0x0;
	_ =	strace $0x90000047  }
0x7d: {  	s0 =	sadd.s32 @!p0 $0x100000, s0;
	[bflag:$0x2] =	sbarrier.arrive $0xFFFF  }
0x7e: {  	[sflag:s0] =	ssyncadd.tile.s32 @!p0 $0x1;
	_ =	shalt  }
.Lfunc_end2:
_tile_overlayer_lowered:
.L_overlay_start_2:
0x7f: {  	(tag) =	ssettag $0x2  }
0x80: {  	s0 =	rddreg [dreg:$0x0];
	s2 =	stileid.u32  }
0x81: {  	s1 =	rddreg [dreg:$0x1];
	p0 =	sne.s32 s2, $0x0  }
0x82: {  	s3 =	rddreg [dreg:$0x2];
	[bflag:$0x3] =	sbarrier.arrive $0xFFFF;
	s2 =	simm.s32 @!p0 $0x1C02  }
0x83: {  	[timem:s3], [sflag:s2] =	dma.local @!p0 [hbm:s0], s1  }
0x84: {  	s0 =	simm.s32 @!p0 $0x2  }
0x85: {  	_ =	swait.ge @!p0 [sflag:s0], s1  }
0x86: {  	s1 =	ssub.s32 @!p0 $0x0, s1;
	[sflag:s0] =	ssyncset.done @!p0 $0x0  }
0x87: {  	[sflag:s0] =	ssyncadd.s32 @!p0 s1  }
0x88: {  	[bflag:$0x3] =	sbarrier.arrive $0xFFFF  }
0x89: {  	_ =	shalt  }

</sc_bundles>
